<compile_context>
chip_gen: v7x
topology: tpu7x:2x2x1
jax: 0.10.2.dev20260603
libtpu: 0.0.44.dev20260713+nightly
codegen_flags: <defaults>
</compile_context>

<pallas_src>
import numpy as np
import jax
import jax.numpy as jnp
from jax.experimental import pallas as pl
from jax.experimental.pallas import tpu as pltpu

_N_IMG = 2
_RATIOS = (0.5, 1.0, 2.0)
_SCALES = (8, 16, 32)
_STRIDE = 16
_FH = 50
_FW = 50
_K = 9
_NA = _FH * _FW * _K
_NAP = 22528
_PRE = 12000
_BS = 128
_NB = 96
_NP = _NB * _BS
_POST = 2000
_TH = 0.7
_MIN_SIZE = 16.0


def _anchor_base(base_size=16.0):
    py = base_size / 2.0
    px = base_size / 2.0
    out = []
    for r in _RATIOS:
        for s in _SCALES:
            h = base_size * s * np.sqrt(r)
            w = base_size * s * np.sqrt(1.0 / r)
            out.append([py - h / 2.0, px - w / 2.0, py + h / 2.0, px + w / 2.0])
    return np.asarray(out, dtype=np.float32)


def _gen_anchors():
    base = _anchor_base()
    sy = np.arange(0, _FH * _STRIDE, _STRIDE, dtype=np.float32)
    sx = np.arange(0, _FW * _STRIDE, _STRIDE, dtype=np.float32)
    sxg, syg = np.meshgrid(sx, sy)
    shifts = np.stack([syg.ravel(), sxg.ravel(), syg.ravel(), sxg.ravel()], axis=1)
    anchors = shifts[:, None, :] + base[None, :, :]
    return anchors.reshape(-1, 4)


def _conv2d(x, w, b, pad):
    y = jax.lax.conv_general_dilated(
        x, w, (1, 1), [(pad, pad), (pad, pad)],
        dimension_numbers=("NCHW", "OIHW", "NCHW"))
    return y + b[None, :, None, None]


def _decode_kernel(fg_ref, loc_ref, anc_ref, wf_ref, hf_ref, bbox_ref, fgm_ref):
    ay1 = anc_ref[0:1, :]
    ax1 = anc_ref[1:2, :]
    ay2 = anc_ref[2:3, :]
    ax2 = anc_ref[3:4, :]
    src_h = ay2 - ay1
    src_w = ax2 - ax1
    src_cy = ay1 + 0.5 * src_h
    src_cx = ax1 + 0.5 * src_w
    l0 = loc_ref[:, 0, :]
    l1 = loc_ref[:, 1, :]
    l2 = loc_ref[:, 2, :]
    l3 = loc_ref[:, 3, :]
    cy = l0 * src_h + src_cy
    cx = l1 * src_w + src_cx
    h = jnp.exp(l2) * src_h
    w = jnp.exp(l3) * src_w
    y1 = cy - 0.5 * h
    x1 = cx - 0.5 * w
    y2 = cy + 0.5 * h
    x2 = cx + 0.5 * w
    hf = hf_ref[0, 0]
    wf = wf_ref[0, 0]
    y1 = jnp.clip(y1, 0.0, hf)
    x1 = jnp.clip(x1, 0.0, wf)
    y2 = jnp.clip(y2, 0.0, hf)
    x2 = jnp.clip(x2, 0.0, wf)
    bbox_ref[:, 0, :] = y1
    bbox_ref[:, 1, :] = x1
    bbox_ref[:, 2, :] = y2
    bbox_ref[:, 3, :] = x2
    valid = ((y2 - y1) >= _MIN_SIZE) & ((x2 - x1) >= _MIN_SIZE)
    fgm_ref[...] = jnp.where(valid, fg_ref[...], -jnp.inf)


def _decode(fg_p, loc_p, anc_p, wf, hf):
    return pl.pallas_call(
        _decode_kernel,
        out_shape=(
            jax.ShapeDtypeStruct((_N_IMG, 4, _NAP), jnp.float32),
            jax.ShapeDtypeStruct((_N_IMG, _NAP), jnp.float32),
        ),
        in_specs=[
            pl.BlockSpec(memory_space=pltpu.VMEM),
            pl.BlockSpec(memory_space=pltpu.VMEM),
            pl.BlockSpec(memory_space=pltpu.VMEM),
            pl.BlockSpec(memory_space=pltpu.SMEM),
            pl.BlockSpec(memory_space=pltpu.SMEM),
        ],
        out_specs=(
            pl.BlockSpec(memory_space=pltpu.VMEM),
            pl.BlockSpec(memory_space=pltpu.VMEM),
        ),
    )(fg_p, loc_p, anc_p, wf, hf)


def _sup_matrix(y1c, x1c, y2c, x2c, ac, y1l, x1l, y2l, x2l, al):
    yy1 = jnp.maximum(y1c, y1l)
    xx1 = jnp.maximum(x1c, x1l)
    yy2 = jnp.minimum(y2c, y2l)
    xx2 = jnp.minimum(x2c, x2l)
    inter = jnp.maximum(yy2 - yy1, 0.0) * jnp.maximum(xx2 - xx1, 0.0)
    iou = inter / (ac + al - inter + 1e-9)
    return jnp.where(iou <= _TH, 0.0, 1.0)


_NCH = _NB + 1
_OUTR = 2048


def _nms_kernel(bl_ref, bc_ref, val_ref, out_ref, sbuf, kscr):
    row_i = jax.lax.broadcasted_iota(jnp.int32, (_BS, _BS), 0)
    col_i = jax.lax.broadcasted_iota(jnp.int32, (_BS, _BS), 1)
    tri = jnp.where(row_i < col_i, 1.0, 0.0).astype(jnp.float32)
    lt = jnp.where(row_i <= col_i, 1.0, 0.0).astype(jnp.bfloat16)
    rowv = jax.lax.broadcasted_iota(jnp.int32, (_BS, 1), 0)
    rowf = (row_i + 1).astype(jnp.float32)

    sbuf[...] = jnp.zeros((_N_IMG, _NCH * _BS, 4), jnp.float32)

    def outer_cond(carry):
        bi, cnt0, p0, ci0, cnt1, p1, ci1 = carry
        return jnp.logical_and(
            bi < _NB,
            jnp.logical_or(cnt0 < _POST, cnt1 < _POST))

    def outer_body(carry):
        bi, cnt0, p0, ci0, cnt1, p1, ci1 = carry

        def blk(im):
            bcb = bc_ref[im, pl.ds(bi, 1)][0]
            cols = (bcb[:, 0:1], bcb[:, 1:2], bcb[:, 2:3], bcb[:, 3:4])
            ac = (cols[2] - cols[0]) * (cols[3] - cols[1])
            bll = bl_ref[im, :, pl.ds(bi, 1), :]
            lanes = (bll[0], bll[1], bll[2], bll[3])
            al = (lanes[2] - lanes[0]) * (lanes[3] - lanes[1])
            return bcb, cols, ac, lanes, al

        bcb0, cols0, ac0, lanes0, al0 = blk(0)
        bcb1, cols1, ac1, lanes1, al1 = blk(1)

        nch = jnp.maximum(ci0, ci1) + 1

        def pull_body(cc, accs):
            a0, a1 = accs

            def one(im, lanes, al, a):
                ch = sbuf[im, pl.ds(cc * _BS, _BS), :]
                cy1 = ch[:, 0:1]
                cx1 = ch[:, 1:2]
                cy2 = ch[:, 2:3]
                cx2 = ch[:, 3:4]
                ca = (cy2 - cy1) * (cx2 - cx1)
                mx = _sup_matrix(cy1, cx1, cy2, cx2, ca,
                                 lanes[0], lanes[1], lanes[2], lanes[3], al)
                return a + jnp.sum(mx, axis=0, keepdims=True)

            return one(0, lanes0, al0, a0), one(1, lanes1, al1, a1)

        z = jnp.zeros((1, _BS), jnp.float32)
        acc0, acc1 = jax.lax.fori_loop(0, nch, pull_body, (z, z))
        k00 = val_ref[0, pl.ds(bi, 1), :] * jnp.where(acc0 == 0.0, 1.0, 0.0)
        k01 = val_ref[1, pl.ds(bi, 1), :] * jnp.where(acc1 == 0.0, 1.0, 0.0)

        m0 = (_sup_matrix(cols0[0], cols0[1], cols0[2], cols0[3], ac0,
                          lanes0[0], lanes0[1], lanes0[2], lanes0[3], al0)
              * tri).astype(jnp.bfloat16)
        m1 = (_sup_matrix(cols1[0], cols1[1], cols1[2], cols1[3], ac1,
                          lanes1[0], lanes1[1], lanes1[2], lanes1[3], al1)
              * tri).astype(jnp.bfloat16)
        kscr[0:1, :] = k00
        kscr[1:2, :] = k01

        def w_cond(c):
            it, ch = c
            return jnp.logical_and(ch, it < _BS + 2)

        def w_body(c):
            it, _ = c
            kv0 = kscr[0:1, :]
            kv1 = kscr[1:2, :]
            c0 = jnp.dot(kv0.astype(jnp.bfloat16), m0,
                         preferred_element_type=jnp.float32)
            c1 = jnp.dot(kv1.astype(jnp.bfloat16), m1,
                         preferred_element_type=jnp.float32)
            kn0 = k00 * jnp.where(c0 == 0.0, 1.0, 0.0)
            kn1 = k01 * jnp.where(c1 == 0.0, 1.0, 0.0)
            kscr[0:1, :] = kn0
            kscr[1:2, :] = kn1
            ch = jnp.logical_or(jnp.max(jnp.abs(kn0 - kv0)) > 0.0,
                                jnp.max(jnp.abs(kn1 - kv1)) > 0.0)
            return it + 1, ch

        jax.lax.while_loop(w_cond, w_body, (0, True))
        kf0 = kscr[0:1, :]
        kf1 = kscr[1:2, :]
        m0c = jnp.sum(kf0).astype(jnp.int32)
        m1c = jnp.sum(kf1).astype(jnp.int32)

        def append(im, kf, bcb, m, p, ci):
            prefix = jnp.dot(kf.astype(jnp.bfloat16), lt,
                             preferred_element_type=jnp.float32)
            pt = (jnp.where(rowf == prefix, 1.0, 0.0) * kf).astype(jnp.bfloat16)
            xi = jax.lax.bitcast_convert_type(bcb, jnp.int32)
            comp_i = jnp.zeros((_BS, 4), jnp.int32)
            for sh in (0, 8, 16, 24):
                plane = ((xi >> sh) & 255).astype(jnp.float32).astype(jnp.bfloat16)
                sel = jnp.dot(pt, plane, preferred_element_type=jnp.float32)
                comp_i = comp_i | (sel.astype(jnp.int32) << sh)
            comp = jax.lax.bitcast_convert_type(comp_i, jnp.float32)
            crot = pltpu.roll(comp, p, 0)
            mask1 = jnp.where(rowv >= p, 1.0, 0.0)
            base = ci * _BS
            sbuf[im, pl.ds(base, _BS), :] = (
                sbuf[im, pl.ds(base, _BS), :] + crot * mask1)
            overflow = p + m >= _BS

            @pl.when(overflow)
            def _():
                mask2 = jnp.where(rowv < p, 1.0, 0.0)
                nbase = base + _BS
                sbuf[im, pl.ds(nbase, _BS), :] = (
                    sbuf[im, pl.ds(nbase, _BS), :] + crot * mask2)

            return (jnp.where(overflow, ci + 1, ci),
                    jnp.where(overflow, p + m - _BS, p + m))

        ci0n, p0n = append(0, kf0, bcb0, m0c, p0, ci0)
        ci1n, p1n = append(1, kf1, bcb1, m1c, p1, ci1)
        return bi + 1, cnt0 + m0c, p0n, ci0n, cnt1 + m1c, p1n, ci1n

    jax.lax.while_loop(outer_cond, outer_body, (0, 0, 0, 0, 0, 0, 0))
    out_ref[0] = sbuf[0, 0:_OUTR, :]
    out_ref[1] = sbuf[1, 0:_OUTR, :]


def _nms(bl, bc, val):
    return pl.pallas_call(
        _nms_kernel,
        out_shape=jax.ShapeDtypeStruct((_N_IMG, _OUTR, 4), jnp.float32),
        in_specs=[
            pl.BlockSpec(memory_space=pltpu.VMEM),
            pl.BlockSpec(memory_space=pltpu.VMEM),
            pl.BlockSpec(memory_space=pltpu.VMEM),
        ],
        out_specs=pl.BlockSpec(memory_space=pltpu.VMEM),
        scratch_shapes=[
            pltpu.VMEM((_N_IMG, _NCH * _BS, 4), jnp.float32),
            pltpu.VMEM((2, _BS), jnp.float32),
        ],
    )(bl, bc, val)


def kernel(x, conv1_w, conv1_b, cls_w, cls_b, reg_w, reg_b, img_width, img_height):
    n = _N_IMG
    h = jax.nn.relu(_conv2d(x, conv1_w, conv1_b, 1))
    cls = _conv2d(h, cls_w, cls_b, 0)
    cls = jnp.transpose(cls, (0, 2, 3, 1)).reshape(n, -1, 2)
    fg = jax.nn.softmax(cls, axis=-1)[:, :, 1]
    cls_out = jnp.transpose(cls, (0, 2, 1))
    loc = _conv2d(h, reg_w, reg_b, 0)
    loc = jnp.transpose(loc, (0, 2, 3, 1)).reshape(n, -1, 4)

    anchors_np = _gen_anchors()
    anchors = jnp.asarray(anchors_np)
    wf = jnp.asarray(img_width, jnp.float32).reshape(1, 1)
    hf = jnp.asarray(img_height, jnp.float32).reshape(1, 1)

    pad_a = _NAP - _NA
    fg_p = jnp.pad(fg, ((0, 0), (0, pad_a)))
    loc_t = jnp.pad(jnp.transpose(loc, (0, 2, 1)), ((0, 0), (0, 0), (0, pad_a)))
    anc_t = jnp.pad(anchors.T, ((0, 0), (0, pad_a)))
    bbox_t, fg_m = _decode(fg_p, loc_t, anc_t, wf, hf)
    bbox_t = bbox_t[:, :, :_NA]
    fg_m = fg_m[:, :_NA]

    order = jnp.argsort(-fg_m, axis=1)[:, :_PRE]
    bbox_s = jnp.take_along_axis(bbox_t, order[:, None, :], axis=2)
    fg_s = jnp.take_along_axis(fg_m, order, axis=1)

    pad_b = _NP - _PRE
    bl = jnp.pad(bbox_s, ((0, 0), (0, 0), (0, pad_b))).reshape(n, 4, _NB, _BS)
    bbox_rows = jnp.pad(jnp.transpose(bbox_s, (0, 2, 1)), ((0, 0), (0, pad_b), (0, 0)))
    bc = bbox_rows.reshape(n, _NB, _BS, 4)
    val = jnp.pad((fg_s > -jnp.inf).astype(jnp.float32), ((0, 0), (0, pad_b)))

    rois = _nms(bl, bc, val.reshape(n, _NB, _BS))[:, :_POST, :].reshape(n * _POST, 4)

    roi_inds = jnp.concatenate(
        [jnp.full((_POST,), float(i), dtype=jnp.float32) for i in range(n)], axis=0)
    return cls_out, loc, rois, roi_inds, anchors

# --- scband reference (transcript-rebuilt; emitter-appended) ---
"""Pipeline reference for scband-rpn-40638980555105 (READ-ONLY COPY).

The authoritative reference and input builder live on the scoring server;
editing this copy changes nothing except your own understanding.
"""

import jax, jax.numpy as jnp
import numpy as np

N_IMG = 2
IN_CH = 256
MID_CH = 256
RATIOS = (0.5, 1.0, 2.0)
SCALES = (8, 16, 32)
STRIDE = 16
FH = 50
FW = 50
IMG_W = 800
IMG_H = 800
K = len(RATIOS) * len(SCALES)
PRE_NMS = 12000
POST_NMS = 2000
NMS_THRESH = 0.7
MIN_SIZE = 16.0

def generate_anchor_base(base_size=16.0, ratios=RATIOS, scales=SCALES):
    py = base_size / 2.0
    px = base_size / 2.0
    out = []
    for r in ratios:
        for s in scales:
            h = base_size * s * np.sqrt(r)
            w = base_size * s * np.sqrt(1.0 / r)
            out.append([py - h / 2.0, px - w / 2.0, py + h / 2.0, px + w / 2.0])
    return np.asarray(out, dtype=np.float32)

def generate_anchors(base, stride, width, height):
    sy = np.arange(0, height * stride, stride, dtype=np.float32)
    sx = np.arange(0, width * stride, stride, dtype=np.float32)
    sxg, syg = np.meshgrid(sx, sy)
    shifts = np.stack([syg.ravel(), sxg.ravel(), syg.ravel(), sxg.ravel()], axis=1)
    anchors = shifts[:, None, :] + base[None, :, :]
    return anchors.reshape(-1, 4)

def conv2d(x, w, b, pad):
    y = jax.lax.conv_general_dilated(x, w, (1, 1), [(pad, pad), (pad, pad)], dimension_numbers=('NCHW', 'OIHW', 'NCHW'))
    return y + b[None, :, None, None]

def reg2bbox(anchors, loc):
    src_h = anchors[:, 2] - anchors[:, 0]
    src_w = anchors[:, 3] - anchors[:, 1]
    src_cy = anchors[:, 0] + 0.5 * src_h
    src_cx = anchors[:, 1] + 0.5 * src_w
    cy = loc[:, 0] * src_h + src_cy
    cx = loc[:, 1] * src_w + src_cx
    h = jnp.exp(loc[:, 2]) * src_h
    w = jnp.exp(loc[:, 3]) * src_w
    return jnp.stack([cy - 0.5 * h, cx - 0.5 * w, cy + 0.5 * h, cx + 0.5 * w], axis=1)

def nms_select(boxes, scores):
    areas = (boxes[:, 2] - boxes[:, 0]) * (boxes[:, 3] - boxes[:, 1])
    def body(avail, _):
        masked = jnp.where(avail, scores, -jnp.inf)
        i = jnp.argmax(masked)
        picked_valid = masked[i] > -jnp.inf
        b = boxes[i]
        yy1 = jnp.maximum(b[0], boxes[:, 0])
        xx1 = jnp.maximum(b[1], boxes[:, 1])
        yy2 = jnp.minimum(b[2], boxes[:, 2])
        xx2 = jnp.minimum(b[3], boxes[:, 3])
        inter = jnp.maximum(yy2 - yy1, 0.0) * jnp.maximum(xx2 - xx1, 0.0)
        iou = inter / (areas[i] + areas - inter + 1e-9)
        avail = avail & (iou <= NMS_THRESH)
        avail = avail.at[i].set(False)
        return avail, (i, picked_valid)
    avail0 = scores > -jnp.inf
    _, (idxs, valids) = jax.lax.scan(body, avail0, None, length=POST_NMS)
    return idxs, valids

def proposal(anchors, fg, loc, img_w, img_h):
    bbox = reg2bbox(anchors, loc)
    y1 = jnp.clip(bbox[:, 0], 0.0, img_h)
    x1 = jnp.clip(bbox[:, 1], 0.0, img_w)
    y2 = jnp.clip(bbox[:, 2], 0.0, img_h)
    x2 = jnp.clip(bbox[:, 3], 0.0, img_w)
    bbox = jnp.stack([y1, x1, y2, x2], axis=1)
    valid = ((bbox[:, 2] - bbox[:, 0]) >= MIN_SIZE) & ((bbox[:, 3] - bbox[:, 1]) >= MIN_SIZE)
    fg = jnp.where(valid, fg, -jnp.inf)
    order = jnp.argsort(-fg)[:PRE_NMS]
    bbox_s = bbox[order]
    fg_s = fg[order]
    idxs, valids = nms_select(jax.lax.stop_gradient(bbox_s), jax.lax.stop_gradient(fg_s))
    roi = bbox_s[idxs] * valids[:, None].astype(bbox_s.dtype)
    return roi

def rpn_forward(x, conv1_w, conv1_b, cls_w, cls_b, reg_w, reg_b, img_width, img_height):
    n, _, H, W = x.shape
    h = jax.nn.relu(conv2d(x, conv1_w, conv1_b, 1))
    cls = conv2d(h, cls_w, cls_b, 0)
    cls = jnp.transpose(cls, (0, 2, 3, 1)).reshape(n, -1, 2)
    fg = jax.nn.softmax(cls, axis=-1)[:, :, 1]
    cls_out = jnp.transpose(cls, (0, 2, 1))
    loc = conv2d(h, reg_w, reg_b, 0)
    loc = jnp.transpose(loc, (0, 2, 3, 1)).reshape(n, -1, 4)
    anchors = jnp.asarray(generate_anchors(generate_anchor_base(), STRIDE, W, H))
    img_w_f = jnp.asarray(img_width, jnp.float32)
    img_h_f = jnp.asarray(img_height, jnp.float32)
    rois = []
    for i in range(n):
        rois.append(proposal(anchors, fg[i], loc[i], img_w_f, img_h_f))
    rois = jnp.concatenate(rois, axis=0)
    roi_inds = jnp.concatenate([jnp.full((POST_NMS,), i, dtype=jnp.float32) for i in range(n)], axis=0)
    return cls_out, loc, rois, roi_inds, anchors

def setup_inputs(seed: int = 0):
    key = jax.random.key(seed)
    ks = jax.random.split(key, 4)
    x = jax.random.normal(ks[0], (N_IMG, IN_CH, FH, FW), dtype=jnp.float32)
    conv1_w = 0.01 * jax.random.normal(ks[1], (MID_CH, IN_CH, 3, 3), dtype=jnp.float32)
    conv1_b = jnp.zeros((MID_CH,), jnp.float32)
    cls_w = 0.01 * jax.random.normal(ks[2], (2 * K, MID_CH, 1, 1), dtype=jnp.float32)
    cls_b = jnp.zeros((2 * K,), jnp.float32)
    reg_w = 0.01 * jax.random.normal(ks[3], (4 * K, MID_CH, 1, 1), dtype=jnp.float32)
    reg_b = jnp.zeros((4 * K,), jnp.float32)
    return {"x": x, "conv1_w": conv1_w, "conv1_b": conv1_b, "cls_w": cls_w, "cls_b": cls_b, "reg_w": reg_w, "reg_b": reg_b, "img_width": IMG_W, "img_height": IMG_H}

def reference(x, conv1_w, conv1_b, cls_w, cls_b, reg_w, reg_b, img_width, img_height):
    return rpn_forward(x, conv1_w, conv1_b, cls_w, cls_b, reg_w, reg_b, img_width, img_height)

if __name__ == "__main__":
    import jax
    _d = setup_inputs()
    print(jax.jit(kernel)(*tuple(_d.values())))

</pallas_src>

<mosaic_0001>
module attributes {stable_mosaic.version = 14 : i64} {
  func.func @_decode_kernel(%arg0: memref<2x22528xf32, #tpu.memory_space<vmem>>, %arg1: memref<2x4x22528xf32, #tpu.memory_space<vmem>>, %arg2: memref<4x22528xf32, #tpu.memory_space<vmem>>, %arg3: memref<1x1xf32, #tpu.memory_space<smem>>, %arg4: memref<1x1xf32, #tpu.memory_space<smem>>, %arg5: memref<2x4x22528xf32, #tpu.memory_space<vmem>>, %arg6: memref<2x22528xf32, #tpu.memory_space<vmem>>) attributes {dimension_semantics = [], scalar_prefetch = 0 : i64, scratch_operands = 0 : i64, tpu.core_type = #tpu.core_type<tc>} {
    %get3A = arith.constant 0 : index
    %get3A_0 = arith.constant 0 : index
    %get3A_1 = vector.load %arg2[%get3A, %get3A_0] : memref<4x22528xf32, #tpu.memory_space<vmem>>, vector<1x22528xf32>
    %get3A_2 = arith.constant 1 : index
    %get3A_3 = arith.constant 0 : index
    %get3A_4 = vector.load %arg2[%get3A_2, %get3A_3] : memref<4x22528xf32, #tpu.memory_space<vmem>>, vector<1x22528xf32>
    %get3A_5 = arith.constant 2 : index
    %get3A_6 = arith.constant 0 : index
    %get3A_7 = vector.load %arg2[%get3A_5, %get3A_6] : memref<4x22528xf32, #tpu.memory_space<vmem>>, vector<1x22528xf32>
    %get3A_8 = arith.constant 3 : index
    %get3A_9 = arith.constant 0 : index
    %get3A_10 = vector.load %arg2[%get3A_8, %get3A_9] : memref<4x22528xf32, #tpu.memory_space<vmem>>, vector<1x22528xf32>
    %sub3A = arith.subf %get3A_7, %get3A_1 : vector<1x22528xf32>
    %sub3A_11 = arith.subf %get3A_10, %get3A_4 : vector<1x22528xf32>
    %mul3A = arith.constant 5.000000e-01 : f32
    %mul3A_12 = vector.broadcast %mul3A : f32 to vector<1x22528xf32>
    %mul3A_13 = arith.mulf %mul3A_12, %sub3A : vector<1x22528xf32>
    %add3A = arith.addf %get3A_1, %mul3A_13 : vector<1x22528xf32>
    %mul3A_14 = arith.constant 5.000000e-01 : f32
    %mul3A_15 = vector.broadcast %mul3A_14 : f32 to vector<1x22528xf32>
    %mul3A_16 = arith.mulf %mul3A_15, %sub3A_11 : vector<1x22528xf32>
    %add3A_17 = arith.addf %get3A_4, %mul3A_16 : vector<1x22528xf32>
    %get3A_18 = arith.constant 0 : index
    %get3A_19 = arith.constant 0 : index
    %get3A_20 = arith.constant 0 : index
    %get3A_21 = vector.load %arg1[%get3A_18, %get3A_19, %get3A_20] : memref<2x4x22528xf32, #tpu.memory_space<vmem>>, vector<2x1x22528xf32>
    %get3A_22 = vector.shape_cast %get3A_21 : vector<2x1x22528xf32> to vector<2x22528xf32>
    %get3A_23 = arith.constant 0 : index
    %get3A_24 = arith.constant 1 : index
    %get3A_25 = arith.constant 0 : index
    %get3A_26 = vector.load %arg1[%get3A_23, %get3A_24, %get3A_25] : memref<2x4x22528xf32, #tpu.memory_space<vmem>>, vector<2x1x22528xf32>
    %get3A_27 = vector.shape_cast %get3A_26 : vector<2x1x22528xf32> to vector<2x22528xf32>
    %get3A_28 = arith.constant 0 : index
    %get3A_29 = arith.constant 2 : index
    %get3A_30 = arith.constant 0 : index
    %get3A_31 = vector.load %arg1[%get3A_28, %get3A_29, %get3A_30] : memref<2x4x22528xf32, #tpu.memory_space<vmem>>, vector<2x1x22528xf32>
    %get3A_32 = vector.shape_cast %get3A_31 : vector<2x1x22528xf32> to vector<2x22528xf32>
    %get3A_33 = arith.constant 0 : index
    %get3A_34 = arith.constant 3 : index
    %get3A_35 = arith.constant 0 : index
    %get3A_36 = vector.load %arg1[%get3A_33, %get3A_34, %get3A_35] : memref<2x4x22528xf32, #tpu.memory_space<vmem>>, vector<2x1x22528xf32>
    %get3A_37 = vector.shape_cast %get3A_36 : vector<2x1x22528xf32> to vector<2x22528xf32>
    %mul3A_38 = vector.broadcast %sub3A : vector<1x22528xf32> to vector<2x22528xf32>
    %mul3A_39 = arith.mulf %get3A_22, %mul3A_38 : vector<2x22528xf32>
    %add3A_40 = vector.broadcast %add3A : vector<1x22528xf32> to vector<2x22528xf32>
    %add3A_41 = arith.addf %mul3A_39, %add3A_40 : vector<2x22528xf32>
    %mul3A_42 = vector.broadcast %sub3A_11 : vector<1x22528xf32> to vector<2x22528xf32>
    %mul3A_43 = arith.mulf %get3A_27, %mul3A_42 : vector<2x22528xf32>
    %add3A_44 = vector.broadcast %add3A_17 : vector<1x22528xf32> to vector<2x22528xf32>
    %add3A_45 = arith.addf %mul3A_43, %add3A_44 : vector<2x22528xf32>
    %exp3A = math.exp %get3A_32 : vector<2x22528xf32>
    %mul3A_46 = vector.broadcast %sub3A : vector<1x22528xf32> to vector<2x22528xf32>
    %mul3A_47 = arith.mulf %exp3A, %mul3A_46 : vector<2x22528xf32>
    %exp3A_48 = math.exp %get3A_37 : vector<2x22528xf32>
    %mul3A_49 = vector.broadcast %sub3A_11 : vector<1x22528xf32> to vector<2x22528xf32>
    %mul3A_50 = arith.mulf %exp3A_48, %mul3A_49 : vector<2x22528xf32>
    %mul3A_51 = arith.constant 5.000000e-01 : f32
    %mul3A_52 = vector.broadcast %mul3A_51 : f32 to vector<2x22528xf32>
    %mul3A_53 = arith.mulf %mul3A_52, %mul3A_47 : vector<2x22528xf32>
    %sub3A_54 = arith.subf %add3A_41, %mul3A_53 : vector<2x22528xf32>
    %mul3A_55 = arith.constant 5.000000e-01 : f32
    %mul3A_56 = vector.broadcast %mul3A_55 : f32 to vector<2x22528xf32>
    %mul3A_57 = arith.mulf %mul3A_56, %mul3A_50 : vector<2x22528xf32>
    %sub3A_58 = arith.subf %add3A_45, %mul3A_57 : vector<2x22528xf32>
    %mul3A_59 = arith.constant 5.000000e-01 : f32
    %mul3A_60 = vector.broadcast %mul3A_59 : f32 to vector<2x22528xf32>
    %mul3A_61 = arith.mulf %mul3A_60, %mul3A_47 : vector<2x22528xf32>
    %add3A_62 = arith.addf %add3A_41, %mul3A_61 : vector<2x22528xf32>
    %mul3A_63 = arith.constant 5.000000e-01 : f32
    %mul3A_64 = vector.broadcast %mul3A_63 : f32 to vector<2x22528xf32>
    %mul3A_65 = arith.mulf %mul3A_64, %mul3A_50 : vector<2x22528xf32>
    %add3A_66 = arith.addf %add3A_45, %mul3A_65 : vector<2x22528xf32>
    %get3A_67 = arith.constant 0 : index
    %get3A_68 = arith.constant 0 : index
    %get3A_69 = memref.load %arg4[%get3A_67, %get3A_68] : memref<1x1xf32, #tpu.memory_space<smem>>
    %get3A_70 = arith.constant 0 : index
    %get3A_71 = arith.constant 0 : index
    %get3A_72 = memref.load %arg3[%get3A_70, %get3A_71] : memref<1x1xf32, #tpu.memory_space<smem>>
    %jit3A = arith.constant 0.000000e+00 : f32
    %max3A = vector.broadcast %jit3A : f32 to vector<2x22528xf32>
    %max3A_73 = arith.maximumf %max3A, %sub3A_54 : vector<2x22528xf32>
    %min3A = vector.broadcast %get3A_69 : f32 to vector<2x22528xf32>
    %min3A_74 = arith.minimumf %min3A, %max3A_73 : vector<2x22528xf32>
    %jit3A_75 = arith.constant 0.000000e+00 : f32
    %max3A_76 = vector.broadcast %jit3A_75 : f32 to vector<2x22528xf32>
    %max3A_77 = arith.maximumf %max3A_76, %sub3A_58 : vector<2x22528xf32>
    %min3A_78 = vector.broadcast %get3A_72 : f32 to vector<2x22528xf32>
    %min3A_79 = arith.minimumf %min3A_78, %max3A_77 : vector<2x22528xf32>
    %jit3A_80 = arith.constant 0.000000e+00 : f32
    %max3A_81 = vector.broadcast %jit3A_80 : f32 to vector<2x22528xf32>
    %max3A_82 = arith.maximumf %max3A_81, %add3A_62 : vector<2x22528xf32>
    %min3A_83 = vector.broadcast %get3A_69 : f32 to vector<2x22528xf32>
    %min3A_84 = arith.minimumf %min3A_83, %max3A_82 : vector<2x22528xf32>
    %jit3A_85 = arith.constant 0.000000e+00 : f32
    %max3A_86 = vector.broadcast %jit3A_85 : f32 to vector<2x22528xf32>
    %max3A_87 = arith.maximumf %max3A_86, %add3A_66 : vector<2x22528xf32>
    %min3A_88 = vector.broadcast %get3A_72 : f32 to vector<2x22528xf32>
    %min3A_89 = arith.minimumf %min3A_88, %max3A_87 : vector<2x22528xf32>
    %swap3A = arith.constant 0 : index
    %swap3A_90 = arith.constant 0 : index
    %swap3A_91 = arith.constant 0 : index
    %swap3A_92 = vector.load %arg5[%swap3A, %swap3A_90, %swap3A_91] : memref<2x4x22528xf32, #tpu.memory_space<vmem>>, vector<2x1x22528xf32>
    %swap3A_93 = vector.shape_cast %swap3A_92 : vector<2x1x22528xf32> to vector<2x22528xf32>
    %swap3A_94 = vector.shape_cast %min3A_74 : vector<2x22528xf32> to vector<2x1x22528xf32>
    tpu.vector_store %arg5[%swap3A, %swap3A_90, %swap3A_91], %swap3A_94 {strides = array<i32>} : memref<2x4x22528xf32, #tpu.memory_space<vmem>>, vector<2x1x22528xf32>,
    %swap3A_95 = arith.constant 0 : index
    %swap3A_96 = arith.constant 1 : index
    %swap3A_97 = arith.constant 0 : index
    %swap3A_98 = vector.load %arg5[%swap3A_95, %swap3A_96, %swap3A_97] : memref<2x4x22528xf32, #tpu.memory_space<vmem>>, vector<2x1x22528xf32>
    %swap3A_99 = vector.shape_cast %swap3A_98 : vector<2x1x22528xf32> to vector<2x22528xf32>
    %swap3A_100 = vector.shape_cast %min3A_79 : vector<2x22528xf32> to vector<2x1x22528xf32>
    tpu.vector_store %arg5[%swap3A_95, %swap3A_96, %swap3A_97], %swap3A_100 {strides = array<i32>} : memref<2x4x22528xf32, #tpu.memory_space<vmem>>, vector<2x1x22528xf32>,
    %swap3A_101 = arith.constant 0 : index
    %swap3A_102 = arith.constant 2 : index
    %swap3A_103 = arith.constant 0 : index
    %swap3A_104 = vector.load %arg5[%swap3A_101, %swap3A_102, %swap3A_103] : memref<2x4x22528xf32, #tpu.memory_space<vmem>>, vector<2x1x22528xf32>
    %swap3A_105 = vector.shape_cast %swap3A_104 : vector<2x1x22528xf32> to vector<2x22528xf32>
    %swap3A_106 = vector.shape_cast %min3A_84 : vector<2x22528xf32> to vector<2x1x22528xf32>
    tpu.vector_store %arg5[%swap3A_101, %swap3A_102, %swap3A_103], %swap3A_106 {strides = array<i32>} : memref<2x4x22528xf32, #tpu.memory_space<vmem>>, vector<2x1x22528xf32>,
    %swap3A_107 = arith.constant 0 : index
    %swap3A_108 = arith.constant 3 : index
    %swap3A_109 = arith.constant 0 : index
    %swap3A_110 = vector.load %arg5[%swap3A_107, %swap3A_108, %swap3A_109] : memref<2x4x22528xf32, #tpu.memory_space<vmem>>, vector<2x1x22528xf32>
    %swap3A_111 = vector.shape_cast %swap3A_110 : vector<2x1x22528xf32> to vector<2x22528xf32>
    %swap3A_112 = vector.shape_cast %min3A_89 : vector<2x22528xf32> to vector<2x1x22528xf32>
    tpu.vector_store %arg5[%swap3A_107, %swap3A_108, %swap3A_109], %swap3A_112 {strides = array<i32>} : memref<2x4x22528xf32, #tpu.memory_space<vmem>>, vector<2x1x22528xf32>,
    %sub3A_113 = arith.subf %min3A_84, %min3A_74 : vector<2x22528xf32>
    %ge3A = arith.constant 1.600000e+01 : f32
    %ge3A_114 = vector.broadcast %ge3A : f32 to vector<2x22528xf32>
    %ge3A_115 = arith.cmpf oge, %sub3A_113, %ge3A_114 : vector<2x22528xf32>
    %sub3A_116 = arith.subf %min3A_89, %min3A_79 : vector<2x22528xf32>
    %ge3A_117 = arith.constant 1.600000e+01 : f32
    %ge3A_118 = vector.broadcast %ge3A_117 : f32 to vector<2x22528xf32>
    %ge3A_119 = arith.cmpf oge, %sub3A_116, %ge3A_118 : vector<2x22528xf32>
    %and3A = arith.andi %ge3A_115, %ge3A_119 : vector<2x22528xi1>
    %get3A_120 = arith.constant 0 : index
    %get3A_121 = arith.constant 0 : index
    %get3A_122 = vector.load %arg0[%get3A_120, %get3A_121] : memref<2x22528xf32, #tpu.memory_space<vmem>>, vector<2x22528xf32>
    %jit3A_123 = arith.constant 0xFF800000 : f32
    %broadcast_in_dim3A = vector.broadcast %jit3A_123 : f32 to vector<2x22528xf32>
    %select_n3A = arith.select %and3A, %get3A_122, %broadcast_in_dim3A : vector<2x22528xi1>, vector<2x22528xf32>
    %swap3A_124 = arith.constant 0 : index
    %swap3A_125 = arith.constant 0 : index
    %swap3A_126 = vector.load %arg6[%swap3A_124, %swap3A_125] : memref<2x22528xf32, #tpu.memory_space<vmem>>, vector<2x22528xf32>
    tpu.vector_store %arg6[%swap3A_124, %swap3A_125], %select_n3A {strides = array<i32>} : memref<2x22528xf32, #tpu.memory_space<vmem>>, vector<2x22528xf32>,
    return
  }
}

module attributes {stable_mosaic.version = 14 : i64} {
  func.func @_nms_kernel(%arg0: memref<2x4x96x128xf32, #tpu.memory_space<vmem>>, %arg1: memref<2x96x128x4xf32, #tpu.memory_space<vmem>>, %arg2: memref<2x96x128xf32, #tpu.memory_space<vmem>>, %arg3: memref<2x2048x4xf32, #tpu.memory_space<vmem>>, %arg4: memref<2x12416x4xf32, #tpu.memory_space<vmem>>, %arg5: memref<2x128xf32, #tpu.memory_space<vmem>>) attributes {dimension_semantics = [], scalar_prefetch = 0 : i64, scratch_operands = 2 : i64, tpu.core_type = #tpu.core_type<tc>} {
    %iota3A = tpu.iota {dimensions = array<i32: 0>} : vector<128x128xi32>
    %iota3A_0 = tpu.iota {dimensions = array<i32: 1>} : vector<128x128xi32>
    %lt3A = arith.cmpi slt, %iota3A, %iota3A_0 : vector<128x128xi32>
    %jit3A = arith.constant 1.000000e+00 : f32
    %jit3A_1 = arith.constant 0.000000e+00 : f32
    %broadcast_in_dim3A = vector.broadcast %jit3A : f32 to vector<128x128xf32>
    %broadcast_in_dim3A_2 = vector.broadcast %jit3A_1 : f32 to vector<128x128xf32>
    %select_n3A = arith.select %lt3A, %broadcast_in_dim3A, %broadcast_in_dim3A_2 : vector<128x128xi1>, vector<128x128xf32>
    %le3A = arith.cmpi sle, %iota3A, %iota3A_0 : vector<128x128xi32>
    %jit3A_3 = arith.constant 1.000000e+00 : f32
    %jit3A_4 = arith.constant 0.000000e+00 : f32
    %broadcast_in_dim3A_5 = vector.broadcast %jit3A_3 : f32 to vector<128x128xf32>
    %broadcast_in_dim3A_6 = vector.broadcast %jit3A_4 : f32 to vector<128x128xf32>
    %select_n3A_7 = arith.select %le3A, %broadcast_in_dim3A_5, %broadcast_in_dim3A_6 : vector<128x128xi1>, vector<128x128xf32>
    %convert_element_type3A = arith.truncf %select_n3A_7 : vector<128x128xf32> to vector<128x128xbf16>
    %iota3A_8 = tpu.iota {dimensions = array<i32: 0>} : vector<128x1xi32>
    %add3A = arith.constant 1 : i32
    %add3A_9 = vector.broadcast %add3A : i32 to vector<128x128xi32>
    %add3A_10 = arith.addi %iota3A, %add3A_9 : vector<128x128xi32>
    %convert_element_type3A_11 = arith.sitofp %add3A_10 : vector<128x128xi32> to vector<128x128xf32>
    %broadcast_in_dim3A_12 = arith.constant 0.000000e+00 : f32
    %broadcast_in_dim3A_13 = vector.broadcast %broadcast_in_dim3A_12 : f32 to vector<2x12416x4xf32>
    %swap3A = arith.constant 0 : index
    %swap3A_14 = arith.constant 0 : index
    %swap3A_15 = arith.constant 0 : index
    %swap3A_16 = vector.load %arg4[%swap3A, %swap3A_14, %swap3A_15] : memref<2x12416x4xf32, #tpu.memory_space<vmem>>, vector<2x12416x4xf32>
    tpu.vector_store %arg4[%swap3A, %swap3A_14, %swap3A_15], %broadcast_in_dim3A_13 {strides = array<i32>} : memref<2x12416x4xf32, #tpu.memory_space<vmem>>, vector<2x12416x4xf32>,
    %while3A = arith.constant 0 : i32
    %while3A_17 = arith.constant 0 : i32
    %while3A_18 = arith.constant 0 : i32
    %while3A_19 = arith.constant 0 : i32
    %while3A_20 = arith.constant 0 : i32
    %while3A_21 = arith.constant 0 : i32
    %while3A_22 = arith.constant 0 : i32
    %while3A_23:7 = scf.while (%while3A_45 = %while3A, %while3A_46 = %while3A_17, %while3A_47 = %while3A_18, %while3A_48 = %while3A_19, %while3A_49 = %while3A_20, %while3A_50 = %while3A_21, %while3A_51 = %while3A_22) : (i32, i32, i32, i32, i32, i32, i32) -> (i32, i32, i32, i32, i32, i32, i32) {
      %lt3A_52 = arith.constant 96 : i32
      %lt3A_53 = arith.cmpi slt, %while3A_45, %lt3A_52 : i32
      %lt3A_54 = arith.constant 2000 : i32
      %lt3A_55 = arith.cmpi slt, %while3A_46, %lt3A_54 : i32
      %lt3A_56 = arith.constant 2000 : i32
      %lt3A_57 = arith.cmpi slt, %while3A_49, %lt3A_56 : i32
      %or3A = arith.ori %lt3A_55, %lt3A_57 : i1
      %and3A = arith.andi %lt3A_53, %or3A : i1
      scf.condition(%and3A) %while3A_45, %while3A_46, %while3A_47, %while3A_48, %while3A_49, %while3A_50, %while3A_51 : i32, i32, i32, i32, i32, i32, i32
    } do {
    ^bb0(%while3A_45: i32, %while3A_46: i32, %while3A_47: i32, %while3A_48: i32, %while3A_49: i32, %while3A_50: i32, %while3A_51: i32):
      %get3A_52 = arith.constant 0 : index
      %get3A_53 = arith.index_cast %while3A_45 : i32 to index
      %get3A_54 = arith.constant 0 : index
      %get3A_55 = arith.constant 0 : index
      %get3A_56 = vector.load %arg1[%get3A_52, %get3A_53, %get3A_54, %get3A_55] : memref<2x96x128x4xf32, #tpu.memory_space<vmem>>, vector<1x1x128x4xf32>
      %get3A_57 = vector.shape_cast %get3A_56 : vector<1x1x128x4xf32> to vector<1x128x4xf32>
      %squeeze3A = vector.shape_cast %get3A_57 : vector<1x128x4xf32> to vector<128x4xf32>
      %slice3A = vector.extract_strided_slice %squeeze3A {offsets = [0, 0], sizes = [128, 1], strides = [1, 1]} : vector<128x4xf32> to vector<128x1xf32>
      %slice3A_58 = vector.extract_strided_slice %squeeze3A {offsets = [0, 1], sizes = [128, 1], strides = [1, 1]} : vector<128x4xf32> to vector<128x1xf32>
      %slice3A_59 = vector.extract_strided_slice %squeeze3A {offsets = [0, 2], sizes = [128, 1], strides = [1, 1]} : vector<128x4xf32> to vector<128x1xf32>
      %slice3A_60 = vector.extract_strided_slice %squeeze3A {offsets = [0, 3], sizes = [128, 1], strides = [1, 1]} : vector<128x4xf32> to vector<128x1xf32>
      %sub3A = arith.subf %slice3A_59, %slice3A : vector<128x1xf32>
      %sub3A_61 = arith.subf %slice3A_60, %slice3A_58 : vector<128x1xf32>
      %mul3A = arith.mulf %sub3A, %sub3A_61 : vector<128x1xf32>
      %get3A_62 = arith.constant 0 : index
      %get3A_63 = arith.constant 0 : index
      %get3A_64 = arith.index_cast %while3A_45 : i32 to index
      %get3A_65 = arith.constant 0 : index
      %get3A_66 = vector.load %arg0[%get3A_62, %get3A_63, %get3A_64, %get3A_65] : memref<2x4x96x128xf32, #tpu.memory_space<vmem>>, vector<1x4x1x128xf32>
      %get3A_67 = vector.shape_cast %get3A_66 : vector<1x4x1x128xf32> to vector<4x1x128xf32>
      %slice3A_68 = vector.extract_strided_slice %get3A_67 {offsets = [0, 0, 0], sizes = [1, 1, 128], strides = [1, 1, 1]} : vector<4x1x128xf32> to vector<1x1x128xf32>
      %squeeze3A_69 = vector.shape_cast %slice3A_68 : vector<1x1x128xf32> to vector<1x128xf32>
      %slice3A_70 = vector.extract_strided_slice %get3A_67 {offsets = [1, 0, 0], sizes = [1, 1, 128], strides = [1, 1, 1]} : vector<4x1x128xf32> to vector<1x1x128xf32>
      %squeeze3A_71 = vector.shape_cast %slice3A_70 : vector<1x1x128xf32> to vector<1x128xf32>
      %slice3A_72 = vector.extract_strided_slice %get3A_67 {offsets = [2, 0, 0], sizes = [1, 1, 128], strides = [1, 1, 1]} : vector<4x1x128xf32> to vector<1x1x128xf32>
      %squeeze3A_73 = vector.shape_cast %slice3A_72 : vector<1x1x128xf32> to vector<1x128xf32>
      %slice3A_74 = vector.extract_strided_slice %get3A_67 {offsets = [3, 0, 0], sizes = [1, 1, 128], strides = [1, 1, 1]} : vector<4x1x128xf32> to vector<1x1x128xf32>
      %squeeze3A_75 = vector.shape_cast %slice3A_74 : vector<1x1x128xf32> to vector<1x128xf32>
      %sub3A_76 = arith.subf %squeeze3A_73, %squeeze3A_69 : vector<1x128xf32>
      %sub3A_77 = arith.subf %squeeze3A_75, %squeeze3A_71 : vector<1x128xf32>
      %mul3A_78 = arith.mulf %sub3A_76, %sub3A_77 : vector<1x128xf32>
      %get3A_79 = arith.constant 1 : index
      %get3A_80 = arith.index_cast %while3A_45 : i32 to index
      %get3A_81 = arith.constant 0 : index
      %get3A_82 = arith.constant 0 : index
      %get3A_83 = vector.load %arg1[%get3A_79, %get3A_80, %get3A_81, %get3A_82] : memref<2x96x128x4xf32, #tpu.memory_space<vmem>>, vector<1x1x128x4xf32>
      %get3A_84 = vector.shape_cast %get3A_83 : vector<1x1x128x4xf32> to vector<1x128x4xf32>
      %squeeze3A_85 = vector.shape_cast %get3A_84 : vector<1x128x4xf32> to vector<128x4xf32>
      %slice3A_86 = vector.extract_strided_slice %squeeze3A_85 {offsets = [0, 0], sizes = [128, 1], strides = [1, 1]} : vector<128x4xf32> to vector<128x1xf32>
      %slice3A_87 = vector.extract_strided_slice %squeeze3A_85 {offsets = [0, 1], sizes = [128, 1], strides = [1, 1]} : vector<128x4xf32> to vector<128x1xf32>
      %slice3A_88 = vector.extract_strided_slice %squeeze3A_85 {offsets = [0, 2], sizes = [128, 1], strides = [1, 1]} : vector<128x4xf32> to vector<128x1xf32>
      %slice3A_89 = vector.extract_strided_slice %squeeze3A_85 {offsets = [0, 3], sizes = [128, 1], strides = [1, 1]} : vector<128x4xf32> to vector<128x1xf32>
      %sub3A_90 = arith.subf %slice3A_88, %slice3A_86 : vector<128x1xf32>
      %sub3A_91 = arith.subf %slice3A_89, %slice3A_87 : vector<128x1xf32>
      %mul3A_92 = arith.mulf %sub3A_90, %sub3A_91 : vector<128x1xf32>
      %get3A_93 = arith.constant 1 : index
      %get3A_94 = arith.constant 0 : index
      %get3A_95 = arith.index_cast %while3A_45 : i32 to index
      %get3A_96 = arith.constant 0 : index
      %get3A_97 = vector.load %arg0[%get3A_93, %get3A_94, %get3A_95, %get3A_96] : memref<2x4x96x128xf32, #tpu.memory_space<vmem>>, vector<1x4x1x128xf32>
      %get3A_98 = vector.shape_cast %get3A_97 : vector<1x4x1x128xf32> to vector<4x1x128xf32>
      %slice3A_99 = vector.extract_strided_slice %get3A_98 {offsets = [0, 0, 0], sizes = [1, 1, 128], strides = [1, 1, 1]} : vector<4x1x128xf32> to vector<1x1x128xf32>
      %squeeze3A_100 = vector.shape_cast %slice3A_99 : vector<1x1x128xf32> to vector<1x128xf32>
      %slice3A_101 = vector.extract_strided_slice %get3A_98 {offsets = [1, 0, 0], sizes = [1, 1, 128], strides = [1, 1, 1]} : vector<4x1x128xf32> to vector<1x1x128xf32>
      %squeeze3A_102 = vector.shape_cast %slice3A_101 : vector<1x1x128xf32> to vector<1x128xf32>
      %slice3A_103 = vector.extract_strided_slice %get3A_98 {offsets = [2, 0, 0], sizes = [1, 1, 128], strides = [1, 1, 1]} : vector<4x1x128xf32> to vector<1x1x128xf32>
      %squeeze3A_104 = vector.shape_cast %slice3A_103 : vector<1x1x128xf32> to vector<1x128xf32>
      %slice3A_105 = vector.extract_strided_slice %get3A_98 {offsets = [3, 0, 0], sizes = [1, 1, 128], strides = [1, 1, 1]} : vector<4x1x128xf32> to vector<1x1x128xf32>
      %squeeze3A_106 = vector.shape_cast %slice3A_105 : vector<1x1x128xf32> to vector<1x128xf32>
      %sub3A_107 = arith.subf %squeeze3A_104, %squeeze3A_100 : vector<1x128xf32>
      %sub3A_108 = arith.subf %squeeze3A_106, %squeeze3A_102 : vector<1x128xf32>
      %mul3A_109 = arith.mulf %sub3A_107, %sub3A_108 : vector<1x128xf32>
      %max3A = arith.maxsi %while3A_48, %while3A_51 : i32
      %add3A_110 = arith.constant 1 : i32
      %add3A_111 = arith.addi %max3A, %add3A_110 : i32
      %broadcast_in_dim3A_112 = arith.constant 0.000000e+00 : f32
      %broadcast_in_dim3A_113 = vector.broadcast %broadcast_in_dim3A_112 : f32 to vector<1x128xf32>
      %while3A_114 = arith.constant 0 : i32
      %while3A_115 = arith.subi %add3A_111, %while3A_114 : i32
      %while3A_116 = arith.addi %while3A_114, %while3A_115 : i32
      %while3A_117 = arith.constant 1 : i32
      %while3A_118 = arith.divsi %while3A_115, %while3A_117 : i32
      %while3A_119 = arith.muli %while3A_118, %while3A_117 : i32
      %while3A_120 = arith.addi %while3A_114, %while3A_119 : i32
      %while3A_121 = arith.constant 1 : i32
      %while3A_122:2 = scf.for %while3A_479 = %while3A_114 to %while3A_120 step %while3A_121 iter_args(%while3A_480 = %broadcast_in_dim3A_113, %while3A_481 = %broadcast_in_dim3A_113) -> (vector<1x128xf32>, vector<1x128xf32>)  : i32 {
        %mul3A_482 = arith.constant 128 : i32
        %mul3A_483 = arith.muli %while3A_479, %mul3A_482 : i32
        %get3A_484 = arith.constant 0 : index
        %get3A_485 = arith.index_cast %mul3A_483 : i32 to index
        %get3A_486 = arith.constant 0 : index
        %get3A_487 = vector.load %arg4[%get3A_484, %get3A_485, %get3A_486] : memref<2x12416x4xf32, #tpu.memory_space<vmem>>, vector<1x128x4xf32>
        %get3A_488 = vector.shape_cast %get3A_487 : vector<1x128x4xf32> to vector<128x4xf32>
        %slice3A_489 = vector.extract_strided_slice %get3A_488 {offsets = [0, 0], sizes = [128, 1], strides = [1, 1]} : vector<128x4xf32> to vector<128x1xf32>
        %slice3A_490 = vector.extract_strided_slice %get3A_488 {offsets = [0, 1], sizes = [128, 1], strides = [1, 1]} : vector<128x4xf32> to vector<128x1xf32>
        %slice3A_491 = vector.extract_strided_slice %get3A_488 {offsets = [0, 2], sizes = [128, 1], strides = [1, 1]} : vector<128x4xf32> to vector<128x1xf32>
        %slice3A_492 = vector.extract_strided_slice %get3A_488 {offsets = [0, 3], sizes = [128, 1], strides = [1, 1]} : vector<128x4xf32> to vector<128x1xf32>
        %sub3A_493 = arith.subf %slice3A_491, %slice3A_489 : vector<128x1xf32>
        %sub3A_494 = arith.subf %slice3A_492, %slice3A_490 : vector<128x1xf32>
        %mul3A_495 = arith.mulf %sub3A_493, %sub3A_494 : vector<128x1xf32>
        %max3A_496 = vector.broadcast %slice3A_489 : vector<128x1xf32> to vector<128x128xf32>
        %max3A_497 = vector.broadcast %squeeze3A_69 : vector<1x128xf32> to vector<128x128xf32>
        %max3A_498 = arith.maximumf %max3A_496, %max3A_497 : vector<128x128xf32>
        %max3A_499 = vector.broadcast %slice3A_490 : vector<128x1xf32> to vector<128x128xf32>
        %max3A_500 = vector.broadcast %squeeze3A_71 : vector<1x128xf32> to vector<128x128xf32>
        %max3A_501 = arith.maximumf %max3A_499, %max3A_500 : vector<128x128xf32>
        %min3A_502 = vector.broadcast %slice3A_491 : vector<128x1xf32> to vector<128x128xf32>
        %min3A_503 = vector.broadcast %squeeze3A_73 : vector<1x128xf32> to vector<128x128xf32>
        %min3A_504 = arith.minimumf %min3A_502, %min3A_503 : vector<128x128xf32>
        %min3A_505 = vector.broadcast %slice3A_492 : vector<128x1xf32> to vector<128x128xf32>
        %min3A_506 = vector.broadcast %squeeze3A_75 : vector<1x128xf32> to vector<128x128xf32>
        %min3A_507 = arith.minimumf %min3A_505, %min3A_506 : vector<128x128xf32>
        %sub3A_508 = arith.subf %min3A_504, %max3A_498 : vector<128x128xf32>
        %max3A_509 = arith.constant 0.000000e+00 : f32
        %max3A_510 = vector.broadcast %max3A_509 : f32 to vector<128x128xf32>
        %max3A_511 = arith.maximumf %sub3A_508, %max3A_510 : vector<128x128xf32>
        %sub3A_512 = arith.subf %min3A_507, %max3A_501 : vector<128x128xf32>
        %max3A_513 = arith.constant 0.000000e+00 : f32
        %max3A_514 = vector.broadcast %max3A_513 : f32 to vector<128x128xf32>
        %max3A_515 = arith.maximumf %sub3A_512, %max3A_514 : vector<128x128xf32>
        %mul3A_516 = arith.mulf %max3A_511, %max3A_515 : vector<128x128xf32>
        %add3A_517 = vector.broadcast %mul3A_495 : vector<128x1xf32> to vector<128x128xf32>
        %add3A_518 = vector.broadcast %mul3A_78 : vector<1x128xf32> to vector<128x128xf32>
        %add3A_519 = arith.addf %add3A_517, %add3A_518 : vector<128x128xf32>
        %sub3A_520 = arith.subf %add3A_519, %mul3A_516 : vector<128x128xf32>
        %add3A_521 = arith.constant 9.99999971E-10 : f32
        %add3A_522 = vector.broadcast %add3A_521 : f32 to vector<128x128xf32>
        %add3A_523 = arith.addf %sub3A_520, %add3A_522 : vector<128x128xf32>
        %div3A_524 = arith.divf %mul3A_516, %add3A_523 : vector<128x128xf32>
        %le3A_525 = arith.constant 0.699999988 : f32
        %le3A_526 = vector.broadcast %le3A_525 : f32 to vector<128x128xf32>
        %le3A_527 = arith.cmpf ole, %div3A_524, %le3A_526 : vector<128x128xf32>
        %jit3A_528 = arith.constant 0.000000e+00 : f32
        %jit3A_529 = arith.constant 1.000000e+00 : f32
        %broadcast_in_dim3A_530 = vector.broadcast %jit3A_528 : f32 to vector<128x128xf32>
        %broadcast_in_dim3A_531 = vector.broadcast %jit3A_529 : f32 to vector<128x128xf32>
        %select_n3A_532 = arith.select %le3A_527, %broadcast_in_dim3A_530, %broadcast_in_dim3A_531 : vector<128x128xi1>, vector<128x128xf32>
        %reduce_sum3A_533 = arith.constant dense<0.000000e+00> : vector<128xf32>
        %reduce_sum3A_534 = vector.multi_reduction <add>, %select_n3A_532, %reduce_sum3A_533 [0] : vector<128x128xf32> to vector<128xf32>
        %broadcast_in_dim3A_535 = vector.shape_cast %reduce_sum3A_534 : vector<128xf32> to vector<1x128xf32>
        %add3A_536 = arith.addf %while3A_480, %broadcast_in_dim3A_535 : vector<1x128xf32>
        %mul3A_537 = arith.constant 128 : i32
        %mul3A_538 = arith.muli %while3A_479, %mul3A_537 : i32
        %get3A_539 = arith.constant 1 : index
        %get3A_540 = arith.index_cast %mul3A_538 : i32 to index
        %get3A_541 = arith.constant 0 : index
        %get3A_542 = vector.load %arg4[%get3A_539, %get3A_540, %get3A_541] : memref<2x12416x4xf32, #tpu.memory_space<vmem>>, vector<1x128x4xf32>
        %get3A_543 = vector.shape_cast %get3A_542 : vector<1x128x4xf32> to vector<128x4xf32>
        %slice3A_544 = vector.extract_strided_slice %get3A_543 {offsets = [0, 0], sizes = [128, 1], strides = [1, 1]} : vector<128x4xf32> to vector<128x1xf32>
        %slice3A_545 = vector.extract_strided_slice %get3A_543 {offsets = [0, 1], sizes = [128, 1], strides = [1, 1]} : vector<128x4xf32> to vector<128x1xf32>
        %slice3A_546 = vector.extract_strided_slice %get3A_543 {offsets = [0, 2], sizes = [128, 1], strides = [1, 1]} : vector<128x4xf32> to vector<128x1xf32>
        %slice3A_547 = vector.extract_strided_slice %get3A_543 {offsets = [0, 3], sizes = [128, 1], strides = [1, 1]} : vector<128x4xf32> to vector<128x1xf32>
        %sub3A_548 = arith.subf %slice3A_546, %slice3A_544 : vector<128x1xf32>
        %sub3A_549 = arith.subf %slice3A_547, %slice3A_545 : vector<128x1xf32>
        %mul3A_550 = arith.mulf %sub3A_548, %sub3A_549 : vector<128x1xf32>
        %max3A_551 = vector.broadcast %slice3A_544 : vector<128x1xf32> to vector<128x128xf32>
        %max3A_552 = vector.broadcast %squeeze3A_100 : vector<1x128xf32> to vector<128x128xf32>
        %max3A_553 = arith.maximumf %max3A_551, %max3A_552 : vector<128x128xf32>
        %max3A_554 = vector.broadcast %slice3A_545 : vector<128x1xf32> to vector<128x128xf32>
        %max3A_555 = vector.broadcast %squeeze3A_102 : vector<1x128xf32> to vector<128x128xf32>
        %max3A_556 = arith.maximumf %max3A_554, %max3A_555 : vector<128x128xf32>
        %min3A_557 = vector.broadcast %slice3A_546 : vector<128x1xf32> to vector<128x128xf32>
        %min3A_558 = vector.broadcast %squeeze3A_104 : vector<1x128xf32> to vector<128x128xf32>
        %min3A_559 = arith.minimumf %min3A_557, %min3A_558 : vector<128x128xf32>
        %min3A_560 = vector.broadcast %slice3A_547 : vector<128x1xf32> to vector<128x128xf32>
        %min3A_561 = vector.broadcast %squeeze3A_106 : vector<1x128xf32> to vector<128x128xf32>
        %min3A_562 = arith.minimumf %min3A_560, %min3A_561 : vector<128x128xf32>
        %sub3A_563 = arith.subf %min3A_559, %max3A_553 : vector<128x128xf32>
        %max3A_564 = arith.constant 0.000000e+00 : f32
        %max3A_565 = vector.broadcast %max3A_564 : f32 to vector<128x128xf32>
        %max3A_566 = arith.maximumf %sub3A_563, %max3A_565 : vector<128x128xf32>
        %sub3A_567 = arith.subf %min3A_562, %max3A_556 : vector<128x128xf32>
        %max3A_568 = arith.constant 0.000000e+00 : f32
        %max3A_569 = vector.broadcast %max3A_568 : f32 to vector<128x128xf32>
        %max3A_570 = arith.maximumf %sub3A_567, %max3A_569 : vector<128x128xf32>
        %mul3A_571 = arith.mulf %max3A_566, %max3A_570 : vector<128x128xf32>
        %add3A_572 = vector.broadcast %mul3A_550 : vector<128x1xf32> to vector<128x128xf32>
        %add3A_573 = vector.broadcast %mul3A_109 : vector<1x128xf32> to vector<128x128xf32>
        %add3A_574 = arith.addf %add3A_572, %add3A_573 : vector<128x128xf32>
        %sub3A_575 = arith.subf %add3A_574, %mul3A_571 : vector<128x128xf32>
        %add3A_576 = arith.constant 9.99999971E-10 : f32
        %add3A_577 = vector.broadcast %add3A_576 : f32 to vector<128x128xf32>
        %add3A_578 = arith.addf %sub3A_575, %add3A_577 : vector<128x128xf32>
        %div3A_579 = arith.divf %mul3A_571, %add3A_578 : vector<128x128xf32>
        %le3A_580 = arith.constant 0.699999988 : f32
        %le3A_581 = vector.broadcast %le3A_580 : f32 to vector<128x128xf32>
        %le3A_582 = arith.cmpf ole, %div3A_579, %le3A_581 : vector<128x128xf32>
        %jit3A_583 = arith.constant 0.000000e+00 : f32
        %jit3A_584 = arith.constant 1.000000e+00 : f32
        %broadcast_in_dim3A_585 = vector.broadcast %jit3A_583 : f32 to vector<128x128xf32>
        %broadcast_in_dim3A_586 = vector.broadcast %jit3A_584 : f32 to vector<128x128xf32>
        %select_n3A_587 = arith.select %le3A_582, %broadcast_in_dim3A_585, %broadcast_in_dim3A_586 : vector<128x128xi1>, vector<128x128xf32>
        %reduce_sum3A_588 = arith.constant dense<0.000000e+00> : vector<128xf32>
        %reduce_sum3A_589 = vector.multi_reduction <add>, %select_n3A_587, %reduce_sum3A_588 [0] : vector<128x128xf32> to vector<128xf32>
        %broadcast_in_dim3A_590 = vector.shape_cast %reduce_sum3A_589 : vector<128xf32> to vector<1x128xf32>
        %add3A_591 = arith.addf %while3A_481, %broadcast_in_dim3A_590 : vector<1x128xf32>
        scf.yield %add3A_536, %add3A_591 : vector<1x128xf32>, vector<1x128xf32>
      }
      %while3A_123 = arith.constant 1 : i32
      %while3A_124:2 = scf.for %while3A_479 = %while3A_120 to %while3A_116 step %while3A_123 iter_args(%while3A_480 = %while3A_122#0, %while3A_481 = %while3A_122#1) -> (vector<1x128xf32>, vector<1x128xf32>)  : i32 {
        %mul3A_482 = arith.constant 128 : i32
        %mul3A_483 = arith.muli %while3A_479, %mul3A_482 : i32
        %get3A_484 = arith.constant 0 : index
        %get3A_485 = arith.index_cast %mul3A_483 : i32 to index
        %get3A_486 = arith.constant 0 : index
        %get3A_487 = vector.load %arg4[%get3A_484, %get3A_485, %get3A_486] : memref<2x12416x4xf32, #tpu.memory_space<vmem>>, vector<1x128x4xf32>
        %get3A_488 = vector.shape_cast %get3A_487 : vector<1x128x4xf32> to vector<128x4xf32>
        %slice3A_489 = vector.extract_strided_slice %get3A_488 {offsets = [0, 0], sizes = [128, 1], strides = [1, 1]} : vector<128x4xf32> to vector<128x1xf32>
        %slice3A_490 = vector.extract_strided_slice %get3A_488 {offsets = [0, 1], sizes = [128, 1], strides = [1, 1]} : vector<128x4xf32> to vector<128x1xf32>
        %slice3A_491 = vector.extract_strided_slice %get3A_488 {offsets = [0, 2], sizes = [128, 1], strides = [1, 1]} : vector<128x4xf32> to vector<128x1xf32>
        %slice3A_492 = vector.extract_strided_slice %get3A_488 {offsets = [0, 3], sizes = [128, 1], strides = [1, 1]} : vector<128x4xf32> to vector<128x1xf32>
        %sub3A_493 = arith.subf %slice3A_491, %slice3A_489 : vector<128x1xf32>
        %sub3A_494 = arith.subf %slice3A_492, %slice3A_490 : vector<128x1xf32>
        %mul3A_495 = arith.mulf %sub3A_493, %sub3A_494 : vector<128x1xf32>
        %max3A_496 = vector.broadcast %slice3A_489 : vector<128x1xf32> to vector<128x128xf32>
        %max3A_497 = vector.broadcast %squeeze3A_69 : vector<1x128xf32> to vector<128x128xf32>
        %max3A_498 = arith.maximumf %max3A_496, %max3A_497 : vector<128x128xf32>
        %max3A_499 = vector.broadcast %slice3A_490 : vector<128x1xf32> to vector<128x128xf32>
        %max3A_500 = vector.broadcast %squeeze3A_71 : vector<1x128xf32> to vector<128x128xf32>
        %max3A_501 = arith.maximumf %max3A_499, %max3A_500 : vector<128x128xf32>
        %min3A_502 = vector.broadcast %slice3A_491 : vector<128x1xf32> to vector<128x128xf32>
        %min3A_503 = vector.broadcast %squeeze3A_73 : vector<1x128xf32> to vector<128x128xf32>
        %min3A_504 = arith.minimumf %min3A_502, %min3A_503 : vector<128x128xf32>
        %min3A_505 = vector.broadcast %slice3A_492 : vector<128x1xf32> to vector<128x128xf32>
        %min3A_506 = vector.broadcast %squeeze3A_75 : vector<1x128xf32> to vector<128x128xf32>
        %min3A_507 = arith.minimumf %min3A_505, %min3A_506 : vector<128x128xf32>
        %sub3A_508 = arith.subf %min3A_504, %max3A_498 : vector<128x128xf32>
        %max3A_509 = arith.constant 0.000000e+00 : f32
        %max3A_510 = vector.broadcast %max3A_509 : f32 to vector<128x128xf32>
        %max3A_511 = arith.maximumf %sub3A_508, %max3A_510 : vector<128x128xf32>
        %sub3A_512 = arith.subf %min3A_507, %max3A_501 : vector<128x128xf32>
        %max3A_513 = arith.constant 0.000000e+00 : f32
        %max3A_514 = vector.broadcast %max3A_513 : f32 to vector<128x128xf32>
        %max3A_515 = arith.maximumf %sub3A_512, %max3A_514 : vector<128x128xf32>
        %mul3A_516 = arith.mulf %max3A_511, %max3A_515 : vector<128x128xf32>
        %add3A_517 = vector.broadcast %mul3A_495 : vector<128x1xf32> to vector<128x128xf32>
        %add3A_518 = vector.broadcast %mul3A_78 : vector<1x128xf32> to vector<128x128xf32>
        %add3A_519 = arith.addf %add3A_517, %add3A_518 : vector<128x128xf32>
        %sub3A_520 = arith.subf %add3A_519, %mul3A_516 : vector<128x128xf32>
        %add3A_521 = arith.constant 9.99999971E-10 : f32
        %add3A_522 = vector.broadcast %add3A_521 : f32 to vector<128x128xf32>
        %add3A_523 = arith.addf %sub3A_520, %add3A_522 : vector<128x128xf32>
        %div3A_524 = arith.divf %mul3A_516, %add3A_523 : vector<128x128xf32>
        %le3A_525 = arith.constant 0.699999988 : f32
        %le3A_526 = vector.broadcast %le3A_525 : f32 to vector<128x128xf32>
        %le3A_527 = arith.cmpf ole, %div3A_524, %le3A_526 : vector<128x128xf32>
        %jit3A_528 = arith.constant 0.000000e+00 : f32
        %jit3A_529 = arith.constant 1.000000e+00 : f32
        %broadcast_in_dim3A_530 = vector.broadcast %jit3A_528 : f32 to vector<128x128xf32>
        %broadcast_in_dim3A_531 = vector.broadcast %jit3A_529 : f32 to vector<128x128xf32>
        %select_n3A_532 = arith.select %le3A_527, %broadcast_in_dim3A_530, %broadcast_in_dim3A_531 : vector<128x128xi1>, vector<128x128xf32>
        %reduce_sum3A_533 = arith.constant dense<0.000000e+00> : vector<128xf32>
        %reduce_sum3A_534 = vector.multi_reduction <add>, %select_n3A_532, %reduce_sum3A_533 [0] : vector<128x128xf32> to vector<128xf32>
        %broadcast_in_dim3A_535 = vector.shape_cast %reduce_sum3A_534 : vector<128xf32> to vector<1x128xf32>
        %add3A_536 = arith.addf %while3A_480, %broadcast_in_dim3A_535 : vector<1x128xf32>
        %mul3A_537 = arith.constant 128 : i32
        %mul3A_538 = arith.muli %while3A_479, %mul3A_537 : i32
        %get3A_539 = arith.constant 1 : index
        %get3A_540 = arith.index_cast %mul3A_538 : i32 to index
        %get3A_541 = arith.constant 0 : index
        %get3A_542 = vector.load %arg4[%get3A_539, %get3A_540, %get3A_541] : memref<2x12416x4xf32, #tpu.memory_space<vmem>>, vector<1x128x4xf32>
        %get3A_543 = vector.shape_cast %get3A_542 : vector<1x128x4xf32> to vector<128x4xf32>
        %slice3A_544 = vector.extract_strided_slice %get3A_543 {offsets = [0, 0], sizes = [128, 1], strides = [1, 1]} : vector<128x4xf32> to vector<128x1xf32>
        %slice3A_545 = vector.extract_strided_slice %get3A_543 {offsets = [0, 1], sizes = [128, 1], strides = [1, 1]} : vector<128x4xf32> to vector<128x1xf32>
        %slice3A_546 = vector.extract_strided_slice %get3A_543 {offsets = [0, 2], sizes = [128, 1], strides = [1, 1]} : vector<128x4xf32> to vector<128x1xf32>
        %slice3A_547 = vector.extract_strided_slice %get3A_543 {offsets = [0, 3], sizes = [128, 1], strides = [1, 1]} : vector<128x4xf32> to vector<128x1xf32>
        %sub3A_548 = arith.subf %slice3A_546, %slice3A_544 : vector<128x1xf32>
        %sub3A_549 = arith.subf %slice3A_547, %slice3A_545 : vector<128x1xf32>
        %mul3A_550 = arith.mulf %sub3A_548, %sub3A_549 : vector<128x1xf32>
        %max3A_551 = vector.broadcast %slice3A_544 : vector<128x1xf32> to vector<128x128xf32>
        %max3A_552 = vector.broadcast %squeeze3A_100 : vector<1x128xf32> to vector<128x128xf32>
        %max3A_553 = arith.maximumf %max3A_551, %max3A_552 : vector<128x128xf32>
        %max3A_554 = vector.broadcast %slice3A_545 : vector<128x1xf32> to vector<128x128xf32>
        %max3A_555 = vector.broadcast %squeeze3A_102 : vector<1x128xf32> to vector<128x128xf32>
        %max3A_556 = arith.maximumf %max3A_554, %max3A_555 : vector<128x128xf32>
        %min3A_557 = vector.broadcast %slice3A_546 : vector<128x1xf32> to vector<128x128xf32>
        %min3A_558 = vector.broadcast %squeeze3A_104 : vector<1x128xf32> to vector<128x128xf32>
        %min3A_559 = arith.minimumf %min3A_557, %min3A_558 : vector<128x128xf32>
        %min3A_560 = vector.broadcast %slice3A_547 : vector<128x1xf32> to vector<128x128xf32>
        %min3A_561 = vector.broadcast %squeeze3A_106 : vector<1x128xf32> to vector<128x128xf32>
        %min3A_562 = arith.minimumf %min3A_560, %min3A_561 : vector<128x128xf32>
        %sub3A_563 = arith.subf %min3A_559, %max3A_553 : vector<128x128xf32>
        %max3A_564 = arith.constant 0.000000e+00 : f32
        %max3A_565 = vector.broadcast %max3A_564 : f32 to vector<128x128xf32>
        %max3A_566 = arith.maximumf %sub3A_563, %max3A_565 : vector<128x128xf32>
        %sub3A_567 = arith.subf %min3A_562, %max3A_556 : vector<128x128xf32>
        %max3A_568 = arith.constant 0.000000e+00 : f32
        %max3A_569 = vector.broadcast %max3A_568 : f32 to vector<128x128xf32>
        %max3A_570 = arith.maximumf %sub3A_567, %max3A_569 : vector<128x128xf32>
        %mul3A_571 = arith.mulf %max3A_566, %max3A_570 : vector<128x128xf32>
        %add3A_572 = vector.broadcast %mul3A_550 : vector<128x1xf32> to vector<128x128xf32>
        %add3A_573 = vector.broadcast %mul3A_109 : vector<1x128xf32> to vector<128x128xf32>
        %add3A_574 = arith.addf %add3A_572, %add3A_573 : vector<128x128xf32>
        %sub3A_575 = arith.subf %add3A_574, %mul3A_571 : vector<128x128xf32>
        %add3A_576 = arith.constant 9.99999971E-10 : f32
        %add3A_577 = vector.broadcast %add3A_576 : f32 to vector<128x128xf32>
        %add3A_578 = arith.addf %sub3A_575, %add3A_577 : vector<128x128xf32>
        %div3A_579 = arith.divf %mul3A_571, %add3A_578 : vector<128x128xf32>
        %le3A_580 = arith.constant 0.699999988 : f32
        %le3A_581 = vector.broadcast %le3A_580 : f32 to vector<128x128xf32>
        %le3A_582 = arith.cmpf ole, %div3A_579, %le3A_581 : vector<128x128xf32>
        %jit3A_583 = arith.constant 0.000000e+00 : f32
        %jit3A_584 = arith.constant 1.000000e+00 : f32
        %broadcast_in_dim3A_585 = vector.broadcast %jit3A_583 : f32 to vector<128x128xf32>
        %broadcast_in_dim3A_586 = vector.broadcast %jit3A_584 : f32 to vector<128x128xf32>
        %select_n3A_587 = arith.select %le3A_582, %broadcast_in_dim3A_585, %broadcast_in_dim3A_586 : vector<128x128xi1>, vector<128x128xf32>
        %reduce_sum3A_588 = arith.constant dense<0.000000e+00> : vector<128xf32>
        %reduce_sum3A_589 = vector.multi_reduction <add>, %select_n3A_587, %reduce_sum3A_588 [0] : vector<128x128xf32> to vector<128xf32>
        %broadcast_in_dim3A_590 = vector.shape_cast %reduce_sum3A_589 : vector<128xf32> to vector<1x128xf32>
        %add3A_591 = arith.addf %while3A_481, %broadcast_in_dim3A_590 : vector<1x128xf32>
        scf.yield %add3A_536, %add3A_591 : vector<1x128xf32>, vector<1x128xf32>
      }
      %get3A_125 = arith.constant 0 : index
      %get3A_126 = arith.index_cast %while3A_45 : i32 to index
      %get3A_127 = arith.constant 0 : index
      %get3A_128 = vector.load %arg2[%get3A_125, %get3A_126, %get3A_127] : memref<2x96x128xf32, #tpu.memory_space<vmem>>, vector<1x1x128xf32>
      %get3A_129 = vector.shape_cast %get3A_128 : vector<1x1x128xf32> to vector<1x128xf32>
      %eq3A = arith.constant 0.000000e+00 : f32
      %eq3A_130 = vector.broadcast %eq3A : f32 to vector<1x128xf32>
      %eq3A_131 = arith.cmpf oeq, %while3A_124#0, %eq3A_130 : vector<1x128xf32>
      %jit3A_132 = arith.constant 1.000000e+00 : f32
      %jit3A_133 = arith.constant 0.000000e+00 : f32
      %broadcast_in_dim3A_134 = vector.broadcast %jit3A_132 : f32 to vector<1x128xf32>
      %broadcast_in_dim3A_135 = vector.broadcast %jit3A_133 : f32 to vector<1x128xf32>
      %select_n3A_136 = arith.select %eq3A_131, %broadcast_in_dim3A_134, %broadcast_in_dim3A_135 : vector<1x128xi1>, vector<1x128xf32>
      %mul3A_137 = arith.mulf %get3A_129, %select_n3A_136 : vector<1x128xf32>
      %get3A_138 = arith.constant 1 : index
      %get3A_139 = arith.index_cast %while3A_45 : i32 to index
      %get3A_140 = arith.constant 0 : index
      %get3A_141 = vector.load %arg2[%get3A_138, %get3A_139, %get3A_140] : memref<2x96x128xf32, #tpu.memory_space<vmem>>, vector<1x1x128xf32>
      %get3A_142 = vector.shape_cast %get3A_141 : vector<1x1x128xf32> to vector<1x128xf32>
      %eq3A_143 = arith.constant 0.000000e+00 : f32
      %eq3A_144 = vector.broadcast %eq3A_143 : f32 to vector<1x128xf32>
      %eq3A_145 = arith.cmpf oeq, %while3A_124#1, %eq3A_144 : vector<1x128xf32>
      %jit3A_146 = arith.constant 1.000000e+00 : f32
      %jit3A_147 = arith.constant 0.000000e+00 : f32
      %broadcast_in_dim3A_148 = vector.broadcast %jit3A_146 : f32 to vector<1x128xf32>
      %broadcast_in_dim3A_149 = vector.broadcast %jit3A_147 : f32 to vector<1x128xf32>
      %select_n3A_150 = arith.select %eq3A_145, %broadcast_in_dim3A_148, %broadcast_in_dim3A_149 : vector<1x128xi1>, vector<1x128xf32>
      %mul3A_151 = arith.mulf %get3A_142, %select_n3A_150 : vector<1x128xf32>
      %max3A_152 = vector.broadcast %slice3A : vector<128x1xf32> to vector<128x128xf32>
      %max3A_153 = vector.broadcast %squeeze3A_69 : vector<1x128xf32> to vector<128x128xf32>
      %max3A_154 = arith.maximumf %max3A_152, %max3A_153 : vector<128x128xf32>
      %max3A_155 = vector.broadcast %slice3A_58 : vector<128x1xf32> to vector<128x128xf32>
      %max3A_156 = vector.broadcast %squeeze3A_71 : vector<1x128xf32> to vector<128x128xf32>
      %max3A_157 = arith.maximumf %max3A_155, %max3A_156 : vector<128x128xf32>
      %min3A = vector.broadcast %slice3A_59 : vector<128x1xf32> to vector<128x128xf32>
      %min3A_158 = vector.broadcast %squeeze3A_73 : vector<1x128xf32> to vector<128x128xf32>
      %min3A_159 = arith.minimumf %min3A, %min3A_158 : vector<128x128xf32>
      %min3A_160 = vector.broadcast %slice3A_60 : vector<128x1xf32> to vector<128x128xf32>
      %min3A_161 = vector.broadcast %squeeze3A_75 : vector<1x128xf32> to vector<128x128xf32>
      %min3A_162 = arith.minimumf %min3A_160, %min3A_161 : vector<128x128xf32>
      %sub3A_163 = arith.subf %min3A_159, %max3A_154 : vector<128x128xf32>
      %max3A_164 = arith.constant 0.000000e+00 : f32
      %max3A_165 = vector.broadcast %max3A_164 : f32 to vector<128x128xf32>
      %max3A_166 = arith.maximumf %sub3A_163, %max3A_165 : vector<128x128xf32>
      %sub3A_167 = arith.subf %min3A_162, %max3A_157 : vector<128x128xf32>
      %max3A_168 = arith.constant 0.000000e+00 : f32
      %max3A_169 = vector.broadcast %max3A_168 : f32 to vector<128x128xf32>
      %max3A_170 = arith.maximumf %sub3A_167, %max3A_169 : vector<128x128xf32>
      %mul3A_171 = arith.mulf %max3A_166, %max3A_170 : vector<128x128xf32>
      %add3A_172 = vector.broadcast %mul3A : vector<128x1xf32> to vector<128x128xf32>
      %add3A_173 = vector.broadcast %mul3A_78 : vector<1x128xf32> to vector<128x128xf32>
      %add3A_174 = arith.addf %add3A_172, %add3A_173 : vector<128x128xf32>
      %sub3A_175 = arith.subf %add3A_174, %mul3A_171 : vector<128x128xf32>
      %add3A_176 = arith.constant 9.99999971E-10 : f32
      %add3A_177 = vector.broadcast %add3A_176 : f32 to vector<128x128xf32>
      %add3A_178 = arith.addf %sub3A_175, %add3A_177 : vector<128x128xf32>
      %div3A = arith.divf %mul3A_171, %add3A_178 : vector<128x128xf32>
      %le3A_179 = arith.constant 0.699999988 : f32
      %le3A_180 = vector.broadcast %le3A_179 : f32 to vector<128x128xf32>
      %le3A_181 = arith.cmpf ole, %div3A, %le3A_180 : vector<128x128xf32>
      %jit3A_182 = arith.constant 0.000000e+00 : f32
      %jit3A_183 = arith.constant 1.000000e+00 : f32
      %broadcast_in_dim3A_184 = vector.broadcast %jit3A_182 : f32 to vector<128x128xf32>
      %broadcast_in_dim3A_185 = vector.broadcast %jit3A_183 : f32 to vector<128x128xf32>
      %select_n3A_186 = arith.select %le3A_181, %broadcast_in_dim3A_184, %broadcast_in_dim3A_185 : vector<128x128xi1>, vector<128x128xf32>
      %mul3A_187 = arith.mulf %select_n3A_186, %select_n3A : vector<128x128xf32>
      %convert_element_type3A_188 = arith.truncf %mul3A_187 : vector<128x128xf32> to vector<128x128xbf16>
      %max3A_189 = vector.broadcast %slice3A_86 : vector<128x1xf32> to vector<128x128xf32>
      %max3A_190 = vector.broadcast %squeeze3A_100 : vector<1x128xf32> to vector<128x128xf32>
      %max3A_191 = arith.maximumf %max3A_189, %max3A_190 : vector<128x128xf32>
      %max3A_192 = vector.broadcast %slice3A_87 : vector<128x1xf32> to vector<128x128xf32>
      %max3A_193 = vector.broadcast %squeeze3A_102 : vector<1x128xf32> to vector<128x128xf32>
      %max3A_194 = arith.maximumf %max3A_192, %max3A_193 : vector<128x128xf32>
      %min3A_195 = vector.broadcast %slice3A_88 : vector<128x1xf32> to vector<128x128xf32>
      %min3A_196 = vector.broadcast %squeeze3A_104 : vector<1x128xf32> to vector<128x128xf32>
      %min3A_197 = arith.minimumf %min3A_195, %min3A_196 : vector<128x128xf32>
      %min3A_198 = vector.broadcast %slice3A_89 : vector<128x1xf32> to vector<128x128xf32>
      %min3A_199 = vector.broadcast %squeeze3A_106 : vector<1x128xf32> to vector<128x128xf32>
      %min3A_200 = arith.minimumf %min3A_198, %min3A_199 : vector<128x128xf32>
      %sub3A_201 = arith.subf %min3A_197, %max3A_191 : vector<128x128xf32>
      %max3A_202 = arith.constant 0.000000e+00 : f32
      %max3A_203 = vector.broadcast %max3A_202 : f32 to vector<128x128xf32>
      %max3A_204 = arith.maximumf %sub3A_201, %max3A_203 : vector<128x128xf32>
      %sub3A_205 = arith.subf %min3A_200, %max3A_194 : vector<128x128xf32>
      %max3A_206 = arith.constant 0.000000e+00 : f32
      %max3A_207 = vector.broadcast %max3A_206 : f32 to vector<128x128xf32>
      %max3A_208 = arith.maximumf %sub3A_205, %max3A_207 : vector<128x128xf32>
      %mul3A_209 = arith.mulf %max3A_204, %max3A_208 : vector<128x128xf32>
      %add3A_210 = vector.broadcast %mul3A_92 : vector<128x1xf32> to vector<128x128xf32>
      %add3A_211 = vector.broadcast %mul3A_109 : vector<1x128xf32> to vector<128x128xf32>
      %add3A_212 = arith.addf %add3A_210, %add3A_211 : vector<128x128xf32>
      %sub3A_213 = arith.subf %add3A_212, %mul3A_209 : vector<128x128xf32>
      %add3A_214 = arith.constant 9.99999971E-10 : f32
      %add3A_215 = vector.broadcast %add3A_214 : f32 to vector<128x128xf32>
      %add3A_216 = arith.addf %sub3A_213, %add3A_215 : vector<128x128xf32>
      %div3A_217 = arith.divf %mul3A_209, %add3A_216 : vector<128x128xf32>
      %le3A_218 = arith.constant 0.699999988 : f32
      %le3A_219 = vector.broadcast %le3A_218 : f32 to vector<128x128xf32>
      %le3A_220 = arith.cmpf ole, %div3A_217, %le3A_219 : vector<128x128xf32>
      %jit3A_221 = arith.constant 0.000000e+00 : f32
      %jit3A_222 = arith.constant 1.000000e+00 : f32
      %broadcast_in_dim3A_223 = vector.broadcast %jit3A_221 : f32 to vector<128x128xf32>
      %broadcast_in_dim3A_224 = vector.broadcast %jit3A_222 : f32 to vector<128x128xf32>
      %select_n3A_225 = arith.select %le3A_220, %broadcast_in_dim3A_223, %broadcast_in_dim3A_224 : vector<128x128xi1>, vector<128x128xf32>
      %mul3A_226 = arith.mulf %select_n3A_225, %select_n3A : vector<128x128xf32>
      %convert_element_type3A_227 = arith.truncf %mul3A_226 : vector<128x128xf32> to vector<128x128xbf16>
      %swap3A_228 = arith.constant 0 : index
      %swap3A_229 = arith.constant 0 : index
      %swap3A_230 = vector.load %arg5[%swap3A_228, %swap3A_229] : memref<2x128xf32, #tpu.memory_space<vmem>>, vector<1x128xf32>
      tpu.vector_store %arg5[%swap3A_228, %swap3A_229], %mul3A_137 {strides = array<i32>} : memref<2x128xf32, #tpu.memory_space<vmem>>, vector<1x128xf32>,
      %swap3A_231 = arith.constant 1 : index
      %swap3A_232 = arith.constant 0 : index
      %swap3A_233 = vector.load %arg5[%swap3A_231, %swap3A_232] : memref<2x128xf32, #tpu.memory_space<vmem>>, vector<1x128xf32>
      tpu.vector_store %arg5[%swap3A_231, %swap3A_232], %mul3A_151 {strides = array<i32>} : memref<2x128xf32, #tpu.memory_space<vmem>>, vector<1x128xf32>,
      %while3A_234 = arith.constant 0 : i32
      %while3A_235 = arith.constant true
      %while3A_236:2 = scf.while (%while3A_479 = %while3A_234, %while3A_480 = %while3A_235) : (i32, i1) -> (i32, i1) {
        %lt3A_481 = arith.constant 130 : i32
        %lt3A_482 = arith.cmpi slt, %while3A_479, %lt3A_481 : i32
        %and3A_483 = arith.andi %while3A_480, %lt3A_482 : i1
        scf.condition(%and3A_483) %while3A_479, %while3A_480 : i32, i1
      } do {
      ^bb0(%while3A_479: i32, %while3A_480: i1):
        %get3A_481 = arith.constant 0 : index
        %get3A_482 = arith.constant 0 : index
        %get3A_483 = vector.load %arg5[%get3A_481, %get3A_482] : memref<2x128xf32, #tpu.memory_space<vmem>>, vector<1x128xf32>
        %get3A_484 = arith.constant 1 : index
        %get3A_485 = arith.constant 0 : index
        %get3A_486 = vector.load %arg5[%get3A_484, %get3A_485] : memref<2x128xf32, #tpu.memory_space<vmem>>, vector<1x128xf32>
        %convert_element_type3A_487 = arith.truncf %get3A_483 : vector<1x128xf32> to vector<1x128xbf16>
        %dot_general3A_488 = arith.constant dense<0.000000e+00> : vector<1x128xf32>
        %dot_general3A_489 = tpu.matmul %convert_element_type3A_487, %convert_element_type3A_188, %dot_general3A_488 {dimension_numbers = #tpu.dot_dimension_numbers<[1], [0], [0], [1], [0, 0, 1, 1], [], []>, transpose_lhs_hint = false} : vector<1x128xbf16>, vector<128x128xbf16>, vector<1x128xf32> -> vector<1x128xf32>
        %convert_element_type3A_490 = arith.truncf %get3A_486 : vector<1x128xf32> to vector<1x128xbf16>
        %dot_general3A_491 = arith.constant dense<0.000000e+00> : vector<1x128xf32>
        %dot_general3A_492 = tpu.matmul %convert_element_type3A_490, %convert_element_type3A_227, %dot_general3A_491 {dimension_numbers = #tpu.dot_dimension_numbers<[1], [0], [0], [1], [0, 0, 1, 1], [], []>, transpose_lhs_hint = false} : vector<1x128xbf16>, vector<128x128xbf16>, vector<1x128xf32> -> vector<1x128xf32>
        %eq3A_493 = arith.constant 0.000000e+00 : f32
        %eq3A_494 = vector.broadcast %eq3A_493 : f32 to vector<1x128xf32>
        %eq3A_495 = arith.cmpf oeq, %dot_general3A_489, %eq3A_494 : vector<1x128xf32>
        %jit3A_496 = arith.constant 1.000000e+00 : f32
        %jit3A_497 = arith.constant 0.000000e+00 : f32
        %broadcast_in_dim3A_498 = vector.broadcast %jit3A_496 : f32 to vector<1x128xf32>
        %broadcast_in_dim3A_499 = vector.broadcast %jit3A_497 : f32 to vector<1x128xf32>
        %select_n3A_500 = arith.select %eq3A_495, %broadcast_in_dim3A_498, %broadcast_in_dim3A_499 : vector<1x128xi1>, vector<1x128xf32>
        %mul3A_501 = arith.mulf %mul3A_137, %select_n3A_500 : vector<1x128xf32>
        %eq3A_502 = arith.constant 0.000000e+00 : f32
        %eq3A_503 = vector.broadcast %eq3A_502 : f32 to vector<1x128xf32>
        %eq3A_504 = arith.cmpf oeq, %dot_general3A_492, %eq3A_503 : vector<1x128xf32>
        %jit3A_505 = arith.constant 1.000000e+00 : f32
        %jit3A_506 = arith.constant 0.000000e+00 : f32
        %broadcast_in_dim3A_507 = vector.broadcast %jit3A_505 : f32 to vector<1x128xf32>
        %broadcast_in_dim3A_508 = vector.broadcast %jit3A_506 : f32 to vector<1x128xf32>
        %select_n3A_509 = arith.select %eq3A_504, %broadcast_in_dim3A_507, %broadcast_in_dim3A_508 : vector<1x128xi1>, vector<1x128xf32>
        %mul3A_510 = arith.mulf %mul3A_151, %select_n3A_509 : vector<1x128xf32>
        %swap3A_511 = arith.constant 0 : index
        %swap3A_512 = arith.constant 0 : index
        %swap3A_513 = vector.load %arg5[%swap3A_511, %swap3A_512] : memref<2x128xf32, #tpu.memory_space<vmem>>, vector<1x128xf32>
        tpu.vector_store %arg5[%swap3A_511, %swap3A_512], %mul3A_501 {strides = array<i32>} : memref<2x128xf32, #tpu.memory_space<vmem>>, vector<1x128xf32>,
        %swap3A_514 = arith.constant 1 : index
        %swap3A_515 = arith.constant 0 : index
        %swap3A_516 = vector.load %arg5[%swap3A_514, %swap3A_515] : memref<2x128xf32, #tpu.memory_space<vmem>>, vector<1x128xf32>
        tpu.vector_store %arg5[%swap3A_514, %swap3A_515], %mul3A_510 {strides = array<i32>} : memref<2x128xf32, #tpu.memory_space<vmem>>, vector<1x128xf32>,
        %sub3A_517 = arith.subf %mul3A_501, %get3A_483 : vector<1x128xf32>
        %abs3A = math.absf %sub3A_517 : vector<1x128xf32>
        %reduce_max3A = vector.shape_cast %abs3A : vector<1x128xf32> to vector<1x1x128xf32>
        %reduce_max3A_518 = arith.constant dense<0xFF800000> : vector<1xf32>
        %reduce_max3A_519 = vector.multi_reduction <maximumf>, %reduce_max3A, %reduce_max3A_518 [1, 2] : vector<1x1x128xf32> to vector<1xf32>
        %reduce_max3A_520 = vector.shape_cast %reduce_max3A_519 : vector<1xf32> to vector<1x1x1xf32>
        %reduce_max3A_521 = vector.extract %reduce_max3A_520[0, 0, 0] : f32 from vector<1x1x1xf32>
        %gt3A = arith.constant 0.000000e+00 : f32
        %gt3A_522 = arith.cmpf ogt, %reduce_max3A_521, %gt3A : f32
        %sub3A_523 = arith.subf %mul3A_510, %get3A_486 : vector<1x128xf32>
        %abs3A_524 = math.absf %sub3A_523 : vector<1x128xf32>
        %reduce_max3A_525 = vector.shape_cast %abs3A_524 : vector<1x128xf32> to vector<1x1x128xf32>
        %reduce_max3A_526 = arith.constant dense<0xFF800000> : vector<1xf32>
        %reduce_max3A_527 = vector.multi_reduction <maximumf>, %reduce_max3A_525, %reduce_max3A_526 [1, 2] : vector<1x1x128xf32> to vector<1xf32>
        %reduce_max3A_528 = vector.shape_cast %reduce_max3A_527 : vector<1xf32> to vector<1x1x1xf32>
        %reduce_max3A_529 = vector.extract %reduce_max3A_528[0, 0, 0] : f32 from vector<1x1x1xf32>
        %gt3A_530 = arith.constant 0.000000e+00 : f32
        %gt3A_531 = arith.cmpf ogt, %reduce_max3A_529, %gt3A_530 : f32
        %or3A_532 = arith.ori %gt3A_522, %gt3A_531 : i1
        %add3A_533 = arith.constant 1 : i32
        %add3A_534 = arith.addi %while3A_479, %add3A_533 : i32
        scf.yield %add3A_534, %or3A_532 : i32, i1
      }
      %get3A_237 = arith.constant 0 : index
      %get3A_238 = arith.constant 0 : index
      %get3A_239 = vector.load %arg5[%get3A_237, %get3A_238] : memref<2x128xf32, #tpu.memory_space<vmem>>, vector<1x128xf32>
      %get3A_240 = arith.constant 1 : index
      %get3A_241 = arith.constant 0 : index
      %get3A_242 = vector.load %arg5[%get3A_240, %get3A_241] : memref<2x128xf32, #tpu.memory_space<vmem>>, vector<1x128xf32>
      %reduce_sum3A = vector.shape_cast %get3A_239 : vector<1x128xf32> to vector<1x1x128xf32>
      %reduce_sum3A_243 = arith.constant dense<0.000000e+00> : vector<1xf32>
      %reduce_sum3A_244 = vector.multi_reduction <add>, %reduce_sum3A, %reduce_sum3A_243 [1, 2] : vector<1x1x128xf32> to vector<1xf32>
      %reduce_sum3A_245 = vector.shape_cast %reduce_sum3A_244 : vector<1xf32> to vector<1x1x1xf32>
      %reduce_sum3A_246 = vector.extract %reduce_sum3A_245[0, 0, 0] : f32 from vector<1x1x1xf32>
      %convert_element_type3A_247 = arith.fptosi %reduce_sum3A_246 : f32 to i32
      %reduce_sum3A_248 = vector.shape_cast %get3A_242 : vector<1x128xf32> to vector<1x1x128xf32>
      %reduce_sum3A_249 = arith.constant dense<0.000000e+00> : vector<1xf32>
      %reduce_sum3A_250 = vector.multi_reduction <add>, %reduce_sum3A_248, %reduce_sum3A_249 [1, 2] : vector<1x1x128xf32> to vector<1xf32>
      %reduce_sum3A_251 = vector.shape_cast %reduce_sum3A_250 : vector<1xf32> to vector<1x1x1xf32>
      %reduce_sum3A_252 = vector.extract %reduce_sum3A_251[0, 0, 0] : f32 from vector<1x1x1xf32>
      %convert_element_type3A_253 = arith.fptosi %reduce_sum3A_252 : f32 to i32
      %convert_element_type3A_254 = arith.truncf %get3A_239 : vector<1x128xf32> to vector<1x128xbf16>
      %dot_general3A = arith.constant dense<0.000000e+00> : vector<1x128xf32>
      %dot_general3A_255 = tpu.matmul %convert_element_type3A_254, %convert_element_type3A, %dot_general3A {dimension_numbers = #tpu.dot_dimension_numbers<[1], [0], [0], [1], [0, 0, 1, 1], [], []>, transpose_lhs_hint = false} : vector<1x128xbf16>, vector<128x128xbf16>, vector<1x128xf32> -> vector<1x128xf32>
      %eq3A_256 = vector.broadcast %dot_general3A_255 : vector<1x128xf32> to vector<128x128xf32>
      %eq3A_257 = arith.cmpf oeq, %convert_element_type3A_11, %eq3A_256 : vector<128x128xf32>
      %jit3A_258 = arith.constant 1.000000e+00 : f32
      %jit3A_259 = arith.constant 0.000000e+00 : f32
      %broadcast_in_dim3A_260 = vector.broadcast %jit3A_258 : f32 to vector<128x128xf32>
      %broadcast_in_dim3A_261 = vector.broadcast %jit3A_259 : f32 to vector<128x128xf32>
      %select_n3A_262 = arith.select %eq3A_257, %broadcast_in_dim3A_260, %broadcast_in_dim3A_261 : vector<128x128xi1>, vector<128x128xf32>
      %mul3A_263 = vector.broadcast %get3A_239 : vector<1x128xf32> to vector<128x128xf32>
      %mul3A_264 = arith.mulf %select_n3A_262, %mul3A_263 : vector<128x128xf32>
      %convert_element_type3A_265 = arith.truncf %mul3A_264 : vector<128x128xf32> to vector<128x128xbf16>
      %bitcast_convert_type3A = tpu.bitcast %squeeze3A : vector<128x4xf32> -> vector<128x4xi32>
      %broadcast_in_dim3A_266 = arith.constant 0 : i32
      %broadcast_in_dim3A_267 = vector.broadcast %broadcast_in_dim3A_266 : i32 to vector<128x4xi32>
      %shift_right_arithmetic3A = arith.constant 0 : i32
      %shift_right_arithmetic3A_268 = vector.broadcast %shift_right_arithmetic3A : i32 to vector<128x4xi32>
      %shift_right_arithmetic3A_269 = arith.shrsi %bitcast_convert_type3A, %shift_right_arithmetic3A_268 : vector<128x4xi32>
      %and3A = arith.constant 255 : i32
      %and3A_270 = vector.broadcast %and3A : i32 to vector<128x4xi32>
      %and3A_271 = arith.andi %shift_right_arithmetic3A_269, %and3A_270 : vector<128x4xi32>
      %convert_element_type3A_272 = arith.sitofp %and3A_271 : vector<128x4xi32> to vector<128x4xf32>
      %convert_element_type3A_273 = arith.truncf %convert_element_type3A_272 : vector<128x4xf32> to vector<128x4xbf16>
      %dot_general3A_274 = arith.constant dense<0.000000e+00> : vector<128x4xf32>
      %dot_general3A_275 = tpu.matmul %convert_element_type3A_265, %convert_element_type3A_273, %dot_general3A_274 {dimension_numbers = #tpu.dot_dimension_numbers<[1], [0], [0], [1], [0, 0, 1, 1], [], []>, transpose_lhs_hint = false} : vector<128x128xbf16>, vector<128x4xbf16>, vector<128x4xf32> -> vector<128x4xf32>
      %convert_element_type3A_276 = arith.fptosi %dot_general3A_275 : vector<128x4xf32> to vector<128x4xi32>
      %shift_left3A = arith.constant 0 : i32
      %shift_left3A_277 = vector.broadcast %shift_left3A : i32 to vector<128x4xi32>
      %shift_left3A_278 = arith.shli %convert_element_type3A_276, %shift_left3A_277 : vector<128x4xi32>
      %or3A = arith.ori %broadcast_in_dim3A_267, %shift_left3A_278 : vector<128x4xi32>
      %shift_right_arithmetic3A_279 = arith.constant 8 : i32
      %shift_right_arithmetic3A_280 = vector.broadcast %shift_right_arithmetic3A_279 : i32 to vector<128x4xi32>
      %shift_right_arithmetic3A_281 = arith.shrsi %bitcast_convert_type3A, %shift_right_arithmetic3A_280 : vector<128x4xi32>
      %and3A_282 = arith.constant 255 : i32
      %and3A_283 = vector.broadcast %and3A_282 : i32 to vector<128x4xi32>
      %and3A_284 = arith.andi %shift_right_arithmetic3A_281, %and3A_283 : vector<128x4xi32>
      %convert_element_type3A_285 = arith.sitofp %and3A_284 : vector<128x4xi32> to vector<128x4xf32>
      %convert_element_type3A_286 = arith.truncf %convert_element_type3A_285 : vector<128x4xf32> to vector<128x4xbf16>
      %dot_general3A_287 = arith.constant dense<0.000000e+00> : vector<128x4xf32>
      %dot_general3A_288 = tpu.matmul %convert_element_type3A_265, %convert_element_type3A_286, %dot_general3A_287 {dimension_numbers = #tpu.dot_dimension_numbers<[1], [0], [0], [1], [0, 0, 1, 1], [], []>, transpose_lhs_hint = false} : vector<128x128xbf16>, vector<128x4xbf16>, vector<128x4xf32> -> vector<128x4xf32>
      %convert_element_type3A_289 = arith.fptosi %dot_general3A_288 : vector<128x4xf32> to vector<128x4xi32>
      %shift_left3A_290 = arith.constant 8 : i32
      %shift_left3A_291 = vector.broadcast %shift_left3A_290 : i32 to vector<128x4xi32>
      %shift_left3A_292 = arith.shli %convert_element_type3A_289, %shift_left3A_291 : vector<128x4xi32>
      %or3A_293 = arith.ori %or3A, %shift_left3A_292 : vector<128x4xi32>
      %shift_right_arithmetic3A_294 = arith.constant 16 : i32
      %shift_right_arithmetic3A_295 = vector.broadcast %shift_right_arithmetic3A_294 : i32 to vector<128x4xi32>
      %shift_right_arithmetic3A_296 = arith.shrsi %bitcast_convert_type3A, %shift_right_arithmetic3A_295 : vector<128x4xi32>
      %and3A_297 = arith.constant 255 : i32
      %and3A_298 = vector.broadcast %and3A_297 : i32 to vector<128x4xi32>
      %and3A_299 = arith.andi %shift_right_arithmetic3A_296, %and3A_298 : vector<128x4xi32>
      %convert_element_type3A_300 = arith.sitofp %and3A_299 : vector<128x4xi32> to vector<128x4xf32>
      %convert_element_type3A_301 = arith.truncf %convert_element_type3A_300 : vector<128x4xf32> to vector<128x4xbf16>
      %dot_general3A_302 = arith.constant dense<0.000000e+00> : vector<128x4xf32>
      %dot_general3A_303 = tpu.matmul %convert_element_type3A_265, %convert_element_type3A_301, %dot_general3A_302 {dimension_numbers = #tpu.dot_dimension_numbers<[1], [0], [0], [1], [0, 0, 1, 1], [], []>, transpose_lhs_hint = false} : vector<128x128xbf16>, vector<128x4xbf16>, vector<128x4xf32> -> vector<128x4xf32>
      %convert_element_type3A_304 = arith.fptosi %dot_general3A_303 : vector<128x4xf32> to vector<128x4xi32>
      %shift_left3A_305 = arith.constant 16 : i32
      %shift_left3A_306 = vector.broadcast %shift_left3A_305 : i32 to vector<128x4xi32>
      %shift_left3A_307 = arith.shli %convert_element_type3A_304, %shift_left3A_306 : vector<128x4xi32>
      %or3A_308 = arith.ori %or3A_293, %shift_left3A_307 : vector<128x4xi32>
      %shift_right_arithmetic3A_309 = arith.constant 24 : i32
      %shift_right_arithmetic3A_310 = vector.broadcast %shift_right_arithmetic3A_309 : i32 to vector<128x4xi32>
      %shift_right_arithmetic3A_311 = arith.shrsi %bitcast_convert_type3A, %shift_right_arithmetic3A_310 : vector<128x4xi32>
      %and3A_312 = arith.constant 255 : i32
      %and3A_313 = vector.broadcast %and3A_312 : i32 to vector<128x4xi32>
      %and3A_314 = arith.andi %shift_right_arithmetic3A_311, %and3A_313 : vector<128x4xi32>
      %convert_element_type3A_315 = arith.sitofp %and3A_314 : vector<128x4xi32> to vector<128x4xf32>
      %convert_element_type3A_316 = arith.truncf %convert_element_type3A_315 : vector<128x4xf32> to vector<128x4xbf16>
      %dot_general3A_317 = arith.constant dense<0.000000e+00> : vector<128x4xf32>
      %dot_general3A_318 = tpu.matmul %convert_element_type3A_265, %convert_element_type3A_316, %dot_general3A_317 {dimension_numbers = #tpu.dot_dimension_numbers<[1], [0], [0], [1], [0, 0, 1, 1], [], []>, transpose_lhs_hint = false} : vector<128x128xbf16>, vector<128x4xbf16>, vector<128x4xf32> -> vector<128x4xf32>
      %convert_element_type3A_319 = arith.fptosi %dot_general3A_318 : vector<128x4xf32> to vector<128x4xi32>
      %shift_left3A_320 = arith.constant 24 : i32
      %shift_left3A_321 = vector.broadcast %shift_left3A_320 : i32 to vector<128x4xi32>
      %shift_left3A_322 = arith.shli %convert_element_type3A_319, %shift_left3A_321 : vector<128x4xi32>
      %or3A_323 = arith.ori %or3A_308, %shift_left3A_322 : vector<128x4xi32>
      %bitcast_convert_type3A_324 = tpu.bitcast %or3A_323 : vector<128x4xi32> -> vector<128x4xf32>
      %roll3A = tpu.dynamic_rotate %bitcast_convert_type3A_324 by %while3A_47 dim 0 : vector<128x4xf32>, i32 -> vector<128x4xf32>
      %ge3A = vector.broadcast %while3A_47 : i32 to vector<128x1xi32>
      %ge3A_325 = arith.cmpi sge, %iota3A_8, %ge3A : vector<128x1xi32>
      %jit3A_326 = arith.constant 1.000000e+00 : f32
      %jit3A_327 = arith.constant 0.000000e+00 : f32
      %broadcast_in_dim3A_328 = vector.broadcast %jit3A_326 : f32 to vector<128x1xf32>
      %broadcast_in_dim3A_329 = vector.broadcast %jit3A_327 : f32 to vector<128x1xf32>
      %select_n3A_330 = arith.select %ge3A_325, %broadcast_in_dim3A_328, %broadcast_in_dim3A_329 : vector<128x1xi1>, vector<128x1xf32>
      %mul3A_331 = arith.constant 128 : i32
      %mul3A_332 = arith.muli %while3A_48, %mul3A_331 : i32
      %get3A_333 = arith.constant 0 : index
      %get3A_334 = arith.index_cast %mul3A_332 : i32 to index
      %get3A_335 = arith.constant 0 : index
      %get3A_336 = vector.load %arg4[%get3A_333, %get3A_334, %get3A_335] : memref<2x12416x4xf32, #tpu.memory_space<vmem>>, vector<1x128x4xf32>
      %get3A_337 = vector.shape_cast %get3A_336 : vector<1x128x4xf32> to vector<128x4xf32>
      %mul3A_338 = vector.broadcast %select_n3A_330 : vector<128x1xf32> to vector<128x4xf32>
      %mul3A_339 = arith.mulf %roll3A, %mul3A_338 : vector<128x4xf32>
      %add3A_340 = arith.addf %get3A_337, %mul3A_339 : vector<128x4xf32>
      %swap3A_341 = arith.constant 0 : index
      %swap3A_342 = arith.index_cast %mul3A_332 : i32 to index
      %swap3A_343 = arith.constant 0 : index
      %swap3A_344 = vector.load %arg4[%swap3A_341, %swap3A_342, %swap3A_343] : memref<2x12416x4xf32, #tpu.memory_space<vmem>>, vector<1x128x4xf32>
      %swap3A_345 = vector.shape_cast %swap3A_344 : vector<1x128x4xf32> to vector<128x4xf32>
      %swap3A_346 = vector.shape_cast %add3A_340 : vector<128x4xf32> to vector<1x128x4xf32>
      tpu.vector_store %arg4[%swap3A_341, %swap3A_342, %swap3A_343], %swap3A_346 {strides = array<i32>} : memref<2x12416x4xf32, #tpu.memory_space<vmem>>, vector<1x128x4xf32>,
      %add3A_347 = arith.addi %while3A_47, %convert_element_type3A_247 : i32
      %ge3A_348 = arith.constant 128 : i32
      %ge3A_349 = arith.cmpi sge, %add3A_347, %ge3A_348 : i32
      %convert_element_type3A_350 = arith.extui %ge3A_349 : i1 to i32
      %cond3A = arith.constant 0 : i32
      %cond3A_351 = arith.cmpi ne, %convert_element_type3A_350, %cond3A : i32
      scf.if %cond3A_351 {
        %lt3A_479 = vector.broadcast %while3A_47 : i32 to vector<128x1xi32>
        %lt3A_480 = arith.cmpi slt, %iota3A_8, %lt3A_479 : vector<128x1xi32>
        %jit3A_481 = arith.constant 1.000000e+00 : f32
        %jit3A_482 = arith.constant 0.000000e+00 : f32
        %broadcast_in_dim3A_483 = vector.broadcast %jit3A_481 : f32 to vector<128x1xf32>
        %broadcast_in_dim3A_484 = vector.broadcast %jit3A_482 : f32 to vector<128x1xf32>
        %select_n3A_485 = arith.select %lt3A_480, %broadcast_in_dim3A_483, %broadcast_in_dim3A_484 : vector<128x1xi1>, vector<128x1xf32>
        %add3A_486 = arith.constant 128 : i32
        %add3A_487 = arith.addi %mul3A_332, %add3A_486 : i32
        %get3A_488 = arith.constant 0 : index
        %get3A_489 = arith.index_cast %add3A_487 : i32 to index
        %get3A_490 = arith.constant 0 : index
        %get3A_491 = vector.load %arg4[%get3A_488, %get3A_489, %get3A_490] : memref<2x12416x4xf32, #tpu.memory_space<vmem>>, vector<1x128x4xf32>
        %get3A_492 = vector.shape_cast %get3A_491 : vector<1x128x4xf32> to vector<128x4xf32>
        %mul3A_493 = vector.broadcast %select_n3A_485 : vector<128x1xf32> to vector<128x4xf32>
        %mul3A_494 = arith.mulf %roll3A, %mul3A_493 : vector<128x4xf32>
        %add3A_495 = arith.addf %get3A_492, %mul3A_494 : vector<128x4xf32>
        %swap3A_496 = arith.constant 0 : index
        %swap3A_497 = arith.index_cast %add3A_487 : i32 to index
        %swap3A_498 = arith.constant 0 : index
        %swap3A_499 = vector.load %arg4[%swap3A_496, %swap3A_497, %swap3A_498] : memref<2x12416x4xf32, #tpu.memory_space<vmem>>, vector<1x128x4xf32>
        %swap3A_500 = vector.shape_cast %swap3A_499 : vector<1x128x4xf32> to vector<128x4xf32>
        %swap3A_501 = vector.shape_cast %add3A_495 : vector<128x4xf32> to vector<1x128x4xf32>
        tpu.vector_store %arg4[%swap3A_496, %swap3A_497, %swap3A_498], %swap3A_501 {strides = array<i32>} : memref<2x12416x4xf32, #tpu.memory_space<vmem>>, vector<1x128x4xf32>,
      } else {
      }
      %add3A_352 = arith.constant 1 : i32
      %add3A_353 = arith.addi %while3A_48, %add3A_352 : i32
      %select_n3A_354 = arith.select %ge3A_349, %add3A_353, %while3A_48 : i32
      %add3A_355 = arith.addi %while3A_47, %convert_element_type3A_247 : i32
      %sub3A_356 = arith.constant 128 : i32
      %sub3A_357 = arith.subi %add3A_355, %sub3A_356 : i32
      %add3A_358 = arith.addi %while3A_47, %convert_element_type3A_247 : i32
      %select_n3A_359 = arith.select %ge3A_349, %sub3A_357, %add3A_358 : i32
      %convert_element_type3A_360 = arith.truncf %get3A_242 : vector<1x128xf32> to vector<1x128xbf16>
      %dot_general3A_361 = arith.constant dense<0.000000e+00> : vector<1x128xf32>
      %dot_general3A_362 = tpu.matmul %convert_element_type3A_360, %convert_element_type3A, %dot_general3A_361 {dimension_numbers = #tpu.dot_dimension_numbers<[1], [0], [0], [1], [0, 0, 1, 1], [], []>, transpose_lhs_hint = false} : vector<1x128xbf16>, vector<128x128xbf16>, vector<1x128xf32> -> vector<1x128xf32>
      %eq3A_363 = vector.broadcast %dot_general3A_362 : vector<1x128xf32> to vector<128x128xf32>
      %eq3A_364 = arith.cmpf oeq, %convert_element_type3A_11, %eq3A_363 : vector<128x128xf32>
      %jit3A_365 = arith.constant 1.000000e+00 : f32
      %jit3A_366 = arith.constant 0.000000e+00 : f32
      %broadcast_in_dim3A_367 = vector.broadcast %jit3A_365 : f32 to vector<128x128xf32>
      %broadcast_in_dim3A_368 = vector.broadcast %jit3A_366 : f32 to vector<128x128xf32>
      %select_n3A_369 = arith.select %eq3A_364, %broadcast_in_dim3A_367, %broadcast_in_dim3A_368 : vector<128x128xi1>, vector<128x128xf32>
      %mul3A_370 = vector.broadcast %get3A_242 : vector<1x128xf32> to vector<128x128xf32>
      %mul3A_371 = arith.mulf %select_n3A_369, %mul3A_370 : vector<128x128xf32>
      %convert_element_type3A_372 = arith.truncf %mul3A_371 : vector<128x128xf32> to vector<128x128xbf16>
      %bitcast_convert_type3A_373 = tpu.bitcast %squeeze3A_85 : vector<128x4xf32> -> vector<128x4xi32>
      %broadcast_in_dim3A_374 = arith.constant 0 : i32
      %broadcast_in_dim3A_375 = vector.broadcast %broadcast_in_dim3A_374 : i32 to vector<128x4xi32>
      %shift_right_arithmetic3A_376 = arith.constant 0 : i32
      %shift_right_arithmetic3A_377 = vector.broadcast %shift_right_arithmetic3A_376 : i32 to vector<128x4xi32>
      %shift_right_arithmetic3A_378 = arith.shrsi %bitcast_convert_type3A_373, %shift_right_arithmetic3A_377 : vector<128x4xi32>
      %and3A_379 = arith.constant 255 : i32
      %and3A_380 = vector.broadcast %and3A_379 : i32 to vector<128x4xi32>
      %and3A_381 = arith.andi %shift_right_arithmetic3A_378, %and3A_380 : vector<128x4xi32>
      %convert_element_type3A_382 = arith.sitofp %and3A_381 : vector<128x4xi32> to vector<128x4xf32>
      %convert_element_type3A_383 = arith.truncf %convert_element_type3A_382 : vector<128x4xf32> to vector<128x4xbf16>
      %dot_general3A_384 = arith.constant dense<0.000000e+00> : vector<128x4xf32>
      %dot_general3A_385 = tpu.matmul %convert_element_type3A_372, %convert_element_type3A_383, %dot_general3A_384 {dimension_numbers = #tpu.dot_dimension_numbers<[1], [0], [0], [1], [0, 0, 1, 1], [], []>, transpose_lhs_hint = false} : vector<128x128xbf16>, vector<128x4xbf16>, vector<128x4xf32> -> vector<128x4xf32>
      %convert_element_type3A_386 = arith.fptosi %dot_general3A_385 : vector<128x4xf32> to vector<128x4xi32>
      %shift_left3A_387 = arith.constant 0 : i32
      %shift_left3A_388 = vector.broadcast %shift_left3A_387 : i32 to vector<128x4xi32>
      %shift_left3A_389 = arith.shli %convert_element_type3A_386, %shift_left3A_388 : vector<128x4xi32>
      %or3A_390 = arith.ori %broadcast_in_dim3A_375, %shift_left3A_389 : vector<128x4xi32>
      %shift_right_arithmetic3A_391 = arith.constant 8 : i32
      %shift_right_arithmetic3A_392 = vector.broadcast %shift_right_arithmetic3A_391 : i32 to vector<128x4xi32>
      %shift_right_arithmetic3A_393 = arith.shrsi %bitcast_convert_type3A_373, %shift_right_arithmetic3A_392 : vector<128x4xi32>
      %and3A_394 = arith.constant 255 : i32
      %and3A_395 = vector.broadcast %and3A_394 : i32 to vector<128x4xi32>
      %and3A_396 = arith.andi %shift_right_arithmetic3A_393, %and3A_395 : vector<128x4xi32>
      %convert_element_type3A_397 = arith.sitofp %and3A_396 : vector<128x4xi32> to vector<128x4xf32>
      %convert_element_type3A_398 = arith.truncf %convert_element_type3A_397 : vector<128x4xf32> to vector<128x4xbf16>
      %dot_general3A_399 = arith.constant dense<0.000000e+00> : vector<128x4xf32>
      %dot_general3A_400 = tpu.matmul %convert_element_type3A_372, %convert_element_type3A_398, %dot_general3A_399 {dimension_numbers = #tpu.dot_dimension_numbers<[1], [0], [0], [1], [0, 0, 1, 1], [], []>, transpose_lhs_hint = false} : vector<128x128xbf16>, vector<128x4xbf16>, vector<128x4xf32> -> vector<128x4xf32>
      %convert_element_type3A_401 = arith.fptosi %dot_general3A_400 : vector<128x4xf32> to vector<128x4xi32>
      %shift_left3A_402 = arith.constant 8 : i32
      %shift_left3A_403 = vector.broadcast %shift_left3A_402 : i32 to vector<128x4xi32>
      %shift_left3A_404 = arith.shli %convert_element_type3A_401, %shift_left3A_403 : vector<128x4xi32>
      %or3A_405 = arith.ori %or3A_390, %shift_left3A_404 : vector<128x4xi32>
      %shift_right_arithmetic3A_406 = arith.constant 16 : i32
      %shift_right_arithmetic3A_407 = vector.broadcast %shift_right_arithmetic3A_406 : i32 to vector<128x4xi32>
      %shift_right_arithmetic3A_408 = arith.shrsi %bitcast_convert_type3A_373, %shift_right_arithmetic3A_407 : vector<128x4xi32>
      %and3A_409 = arith.constant 255 : i32
      %and3A_410 = vector.broadcast %and3A_409 : i32 to vector<128x4xi32>
      %and3A_411 = arith.andi %shift_right_arithmetic3A_408, %and3A_410 : vector<128x4xi32>
      %convert_element_type3A_412 = arith.sitofp %and3A_411 : vector<128x4xi32> to vector<128x4xf32>
      %convert_element_type3A_413 = arith.truncf %convert_element_type3A_412 : vector<128x4xf32> to vector<128x4xbf16>
      %dot_general3A_414 = arith.constant dense<0.000000e+00> : vector<128x4xf32>
      %dot_general3A_415 = tpu.matmul %convert_element_type3A_372, %convert_element_type3A_413, %dot_general3A_414 {dimension_numbers = #tpu.dot_dimension_numbers<[1], [0], [0], [1], [0, 0, 1, 1], [], []>, transpose_lhs_hint = false} : vector<128x128xbf16>, vector<128x4xbf16>, vector<128x4xf32> -> vector<128x4xf32>
      %convert_element_type3A_416 = arith.fptosi %dot_general3A_415 : vector<128x4xf32> to vector<128x4xi32>
      %shift_left3A_417 = arith.constant 16 : i32
      %shift_left3A_418 = vector.broadcast %shift_left3A_417 : i32 to vector<128x4xi32>
      %shift_left3A_419 = arith.shli %convert_element_type3A_416, %shift_left3A_418 : vector<128x4xi32>
      %or3A_420 = arith.ori %or3A_405, %shift_left3A_419 : vector<128x4xi32>
      %shift_right_arithmetic3A_421 = arith.constant 24 : i32
      %shift_right_arithmetic3A_422 = vector.broadcast %shift_right_arithmetic3A_421 : i32 to vector<128x4xi32>
      %shift_right_arithmetic3A_423 = arith.shrsi %bitcast_convert_type3A_373, %shift_right_arithmetic3A_422 : vector<128x4xi32>
      %and3A_424 = arith.constant 255 : i32
      %and3A_425 = vector.broadcast %and3A_424 : i32 to vector<128x4xi32>
      %and3A_426 = arith.andi %shift_right_arithmetic3A_423, %and3A_425 : vector<128x4xi32>
      %convert_element_type3A_427 = arith.sitofp %and3A_426 : vector<128x4xi32> to vector<128x4xf32>
      %convert_element_type3A_428 = arith.truncf %convert_element_type3A_427 : vector<128x4xf32> to vector<128x4xbf16>
      %dot_general3A_429 = arith.constant dense<0.000000e+00> : vector<128x4xf32>
      %dot_general3A_430 = tpu.matmul %convert_element_type3A_372, %convert_element_type3A_428, %dot_general3A_429 {dimension_numbers = #tpu.dot_dimension_numbers<[1], [0], [0], [1], [0, 0, 1, 1], [], []>, transpose_lhs_hint = false} : vector<128x128xbf16>, vector<128x4xbf16>, vector<128x4xf32> -> vector<128x4xf32>
      %convert_element_type3A_431 = arith.fptosi %dot_general3A_430 : vector<128x4xf32> to vector<128x4xi32>
      %shift_left3A_432 = arith.constant 24 : i32
      %shift_left3A_433 = vector.broadcast %shift_left3A_432 : i32 to vector<128x4xi32>
      %shift_left3A_434 = arith.shli %convert_element_type3A_431, %shift_left3A_433 : vector<128x4xi32>
      %or3A_435 = arith.ori %or3A_420, %shift_left3A_434 : vector<128x4xi32>
      %bitcast_convert_type3A_436 = tpu.bitcast %or3A_435 : vector<128x4xi32> -> vector<128x4xf32>
      %roll3A_437 = tpu.dynamic_rotate %bitcast_convert_type3A_436 by %while3A_50 dim 0 : vector<128x4xf32>, i32 -> vector<128x4xf32>
      %ge3A_438 = vector.broadcast %while3A_50 : i32 to vector<128x1xi32>
      %ge3A_439 = arith.cmpi sge, %iota3A_8, %ge3A_438 : vector<128x1xi32>
      %jit3A_440 = arith.constant 1.000000e+00 : f32
      %jit3A_441 = arith.constant 0.000000e+00 : f32
      %broadcast_in_dim3A_442 = vector.broadcast %jit3A_440 : f32 to vector<128x1xf32>
      %broadcast_in_dim3A_443 = vector.broadcast %jit3A_441 : f32 to vector<128x1xf32>
      %select_n3A_444 = arith.select %ge3A_439, %broadcast_in_dim3A_442, %broadcast_in_dim3A_443 : vector<128x1xi1>, vector<128x1xf32>
      %mul3A_445 = arith.constant 128 : i32
      %mul3A_446 = arith.muli %while3A_51, %mul3A_445 : i32
      %get3A_447 = arith.constant 1 : index
      %get3A_448 = arith.index_cast %mul3A_446 : i32 to index
      %get3A_449 = arith.constant 0 : index
      %get3A_450 = vector.load %arg4[%get3A_447, %get3A_448, %get3A_449] : memref<2x12416x4xf32, #tpu.memory_space<vmem>>, vector<1x128x4xf32>
      %get3A_451 = vector.shape_cast %get3A_450 : vector<1x128x4xf32> to vector<128x4xf32>
      %mul3A_452 = vector.broadcast %select_n3A_444 : vector<128x1xf32> to vector<128x4xf32>
      %mul3A_453 = arith.mulf %roll3A_437, %mul3A_452 : vector<128x4xf32>
      %add3A_454 = arith.addf %get3A_451, %mul3A_453 : vector<128x4xf32>
      %swap3A_455 = arith.constant 1 : index
      %swap3A_456 = arith.index_cast %mul3A_446 : i32 to index
      %swap3A_457 = arith.constant 0 : index
      %swap3A_458 = vector.load %arg4[%swap3A_455, %swap3A_456, %swap3A_457] : memref<2x12416x4xf32, #tpu.memory_space<vmem>>, vector<1x128x4xf32>
      %swap3A_459 = vector.shape_cast %swap3A_458 : vector<1x128x4xf32> to vector<128x4xf32>
      %swap3A_460 = vector.shape_cast %add3A_454 : vector<128x4xf32> to vector<1x128x4xf32>
      tpu.vector_store %arg4[%swap3A_455, %swap3A_456, %swap3A_457], %swap3A_460 {strides = array<i32>} : memref<2x12416x4xf32, #tpu.memory_space<vmem>>, vector<1x128x4xf32>,
      %add3A_461 = arith.addi %while3A_50, %convert_element_type3A_253 : i32
      %ge3A_462 = arith.constant 128 : i32
      %ge3A_463 = arith.cmpi sge, %add3A_461, %ge3A_462 : i32
      %convert_element_type3A_464 = arith.extui %ge3A_463 : i1 to i32
      %cond3A_465 = arith.constant 0 : i32
      %cond3A_466 = arith.cmpi ne, %convert_element_type3A_464, %cond3A_465 : i32
      scf.if %cond3A_466 {
        %lt3A_479 = vector.broadcast %while3A_50 : i32 to vector<128x1xi32>
        %lt3A_480 = arith.cmpi slt, %iota3A_8, %lt3A_479 : vector<128x1xi32>
        %jit3A_481 = arith.constant 1.000000e+00 : f32
        %jit3A_482 = arith.constant 0.000000e+00 : f32
        %broadcast_in_dim3A_483 = vector.broadcast %jit3A_481 : f32 to vector<128x1xf32>
        %broadcast_in_dim3A_484 = vector.broadcast %jit3A_482 : f32 to vector<128x1xf32>
        %select_n3A_485 = arith.select %lt3A_480, %broadcast_in_dim3A_483, %broadcast_in_dim3A_484 : vector<128x1xi1>, vector<128x1xf32>
        %add3A_486 = arith.constant 128 : i32
        %add3A_487 = arith.addi %mul3A_446, %add3A_486 : i32
        %get3A_488 = arith.constant 1 : index
        %get3A_489 = arith.index_cast %add3A_487 : i32 to index
        %get3A_490 = arith.constant 0 : index
        %get3A_491 = vector.load %arg4[%get3A_488, %get3A_489, %get3A_490] : memref<2x12416x4xf32, #tpu.memory_space<vmem>>, vector<1x128x4xf32>
        %get3A_492 = vector.shape_cast %get3A_491 : vector<1x128x4xf32> to vector<128x4xf32>
        %mul3A_493 = vector.broadcast %select_n3A_485 : vector<128x1xf32> to vector<128x4xf32>
        %mul3A_494 = arith.mulf %roll3A_437, %mul3A_493 : vector<128x4xf32>
        %add3A_495 = arith.addf %get3A_492, %mul3A_494 : vector<128x4xf32>
        %swap3A_496 = arith.constant 1 : index
        %swap3A_497 = arith.index_cast %add3A_487 : i32 to index
        %swap3A_498 = arith.constant 0 : index
        %swap3A_499 = vector.load %arg4[%swap3A_496, %swap3A_497, %swap3A_498] : memref<2x12416x4xf32, #tpu.memory_space<vmem>>, vector<1x128x4xf32>
        %swap3A_500 = vector.shape_cast %swap3A_499 : vector<1x128x4xf32> to vector<128x4xf32>
        %swap3A_501 = vector.shape_cast %add3A_495 : vector<128x4xf32> to vector<1x128x4xf32>
        tpu.vector_store %arg4[%swap3A_496, %swap3A_497, %swap3A_498], %swap3A_501 {strides = array<i32>} : memref<2x12416x4xf32, #tpu.memory_space<vmem>>, vector<1x128x4xf32>,
      } else {
      }
      %add3A_467 = arith.constant 1 : i32
      %add3A_468 = arith.addi %while3A_51, %add3A_467 : i32
      %select_n3A_469 = arith.select %ge3A_463, %add3A_468, %while3A_51 : i32
      %add3A_470 = arith.addi %while3A_50, %convert_element_type3A_253 : i32
      %sub3A_471 = arith.constant 128 : i32
      %sub3A_472 = arith.subi %add3A_470, %sub3A_471 : i32
      %add3A_473 = arith.addi %while3A_50, %convert_element_type3A_253 : i32
      %select_n3A_474 = arith.select %ge3A_463, %sub3A_472, %add3A_473 : i32
      %add3A_475 = arith.constant 1 : i32
      %add3A_476 = arith.addi %while3A_45, %add3A_475 : i32
      %add3A_477 = arith.addi %while3A_46, %convert_element_type3A_247 : i32
      %add3A_478 = arith.addi %while3A_49, %convert_element_type3A_253 : i32
      scf.yield %add3A_476, %add3A_477, %select_n3A_359, %select_n3A_354, %add3A_478, %select_n3A_474, %select_n3A_469 : i32, i32, i32, i32, i32, i32, i32
    }
    %get3A = arith.constant 0 : index
    %get3A_24 = arith.constant 0 : index
    %get3A_25 = arith.constant 0 : index
    %get3A_26 = vector.load %arg4[%get3A, %get3A_24, %get3A_25] : memref<2x12416x4xf32, #tpu.memory_space<vmem>>, vector<1x2048x4xf32>
    %get3A_27 = vector.shape_cast %get3A_26 : vector<1x2048x4xf32> to vector<2048x4xf32>
    %swap3A_28 = arith.constant 0 : index
    %swap3A_29 = arith.constant 0 : index
    %swap3A_30 = arith.constant 0 : index
    %swap3A_31 = vector.load %arg3[%swap3A_28, %swap3A_29, %swap3A_30] : memref<2x2048x4xf32, #tpu.memory_space<vmem>>, vector<1x2048x4xf32>
    %swap3A_32 = vector.shape_cast %swap3A_31 : vector<1x2048x4xf32> to vector<2048x4xf32>
    %swap3A_33 = vector.shape_cast %get3A_27 : vector<2048x4xf32> to vector<1x2048x4xf32>
    tpu.vector_store %arg3[%swap3A_28, %swap3A_29, %swap3A_30], %swap3A_33 {strides = array<i32>} : memref<2x2048x4xf32, #tpu.memory_space<vmem>>, vector<1x2048x4xf32>,
    %get3A_34 = arith.constant 1 : index
    %get3A_35 = arith.constant 0 : index
    %get3A_36 = arith.constant 0 : index
    %get3A_37 = vector.load %arg4[%get3A_34, %get3A_35, %get3A_36] : memref<2x12416x4xf32, #tpu.memory_space<vmem>>, vector<1x2048x4xf32>
    %get3A_38 = vector.shape_cast %get3A_37 : vector<1x2048x4xf32> to vector<2048x4xf32>
    %swap3A_39 = arith.constant 1 : index
    %swap3A_40 = arith.constant 0 : index
    %swap3A_41 = arith.constant 0 : index
    %swap3A_42 = vector.load %arg3[%swap3A_39, %swap3A_40, %swap3A_41] : memref<2x2048x4xf32, #tpu.memory_space<vmem>>, vector<1x2048x4xf32>
    %swap3A_43 = vector.shape_cast %swap3A_42 : vector<1x2048x4xf32> to vector<2048x4xf32>
    %swap3A_44 = vector.shape_cast %get3A_38 : vector<2048x4xf32> to vector<1x2048x4xf32>
    tpu.vector_store %arg3[%swap3A_39, %swap3A_40, %swap3A_41], %swap3A_44 {strides = array<i32>} : memref<2x2048x4xf32, #tpu.memory_space<vmem>>, vector<1x2048x4xf32>,
    return
  }
}

</mosaic_0001>

<sc_bundles>
// kernel: gather_offload_async_start.1
scs
__scs_entry_jumppad:
0x0: {  	(pc) =	sbr.rel $0x88, $3  }
0x1: {  	(tag) =	ssettag $0x0;
	lr =	simm.s32 $0x1  }
0x2: {  	[smem:$0x3F98] =	sst lr;
	_ =	strace $0xD0000000  }
0x3: {  	_ = 	snop  }
0x4: {  	_ = 	snop  }
0x5: {  	_ = 	snop  }
0x6: {  	_ = 	snop  }
0x7: {  	_ = 	snop  }
__scs_overlays_trampoline_lowered:
0x8: {  	[smem:$0x3FA7] =	sst s0  }
0x9: {  	[smem:$0x3FA8] =	sst s1  }
0xa: {  	[smem:$0x3FA9] =	sst s2  }
0xb: {  	[smem:$0x3FAA] =	sst s3  }
0xc: {  	[smem:$0x3FAB] =	sst s4  }
0xd: {  	[smem:$0x3FAC] =	sst s5  }
0xe: {  	[smem:$0x3FAD] =	sst s6  }
0xf: {  	[smem:$0x3FAE] =	sst s7  }
0x10: {  	[smem:$0x3FAF] =	sst s8  }
0x11: {  	[smem:$0x3FB0] =	sst s9;
	s0 =	simm.s32 @!p0 $0x0  }
0x12: {  	s1 =	sld [smem:$0x3F96];
	s0 =	simm.s32 @p0 $0x1  }
0x13: {  	[smem:$0x3FB1] =	sst s0;
	s0 =	simm.s32 @!p1 $0x0  }
0x14: {  	s2 =	sld [smem:$0x3F95];
	s0 =	simm.s32 @p1 $0x1  }
0x15: {  	[smem:$0x3FB2] =	sst s0;
	s0 =	simm.s32 @!p2 $0x0  }
0x16: {  	s3 =	sld [smem:$0x3FDB];
	s0 =	simm.s32 @p2 $0x1  }
0x17: {  	s4 =	simm.s32 $0x1BF5;
	[smem:$0x3FB4] =	sst s0  }
0x18: {  	s0 =	sld [smem:$0x3F97];
	_ =	swait.ge [sflag:s4], $0x0  }
0x19: {  	s7 =	sld [smem:$0x3F98]  }
0x1a: {  	s8 =	sadd.s32 $0xFFFFE003, lr  }
0x1b: {  	s9 =	sadd.s32 $0xFFFFFEF7, lr;
	s5 =	simm.s32 $0xFFFFFFFF;
	p2 =	slt.u32 s8, $0xFFFFF086  }
0x1c: {  	p1 =	slt.u32 s9, $0xF7A;
	s5 =	simm.s32 @!p2 $0x0  }
0x1d: {  	s5 =	simm.s32 @p1 $0x1;
	p0 =	seq.s32 s7, s2  }
0x1e: {  	s7 =	smul.u32 @!p0 $0xF7A, s2;
	p2 =	seq.s32 @!p0 s5, $0x0  }
0x1f: {  	s9 =	smul.u32 $0xF7A, s1;
	s8 =	simm.s32 @!p0 $0x1BF5;
	p2 =	por !p2, p0  }
0x20: {  	[sflag:s8] =	ssyncset.s32 @!p0 $0xFFFFF086;
	s6 =	sadd.s32 @!p0 s3, s7;
	s7 =	simm.s32 @!p0 $0x108  }
0x21: {  	s3 =	sadd.s32 s3, s9;
	s6 =	sadd.s32 @!p0 $0x88, s6;
	s7 =	simm.s32 @p2 $0x1082  }
0x22: {  	[simem:s7], [sflag:s8] =	dma.local @!p0 [hbm:s6], $0xF7A  }
0x23: {  	s9 =	sor.u32 $0xD0000000, s2;
	s6 =	simm.s32 $0x108;
	_ =	swait.ge @!p0 [sflag:s8], $0x0  }
0x24: {  	s3 =	sadd.s32 $0x88, s3;
	s6 =	simm.s32 @!p1 $0x1082;
	[sflag:s4] =	ssyncset.s32 $0xFFFFF086  }
0x25: {  	[simem:s6], [sflag:s4] =	dma.local [hbm:s3], $0xF7A  }
0x26: {  	[smem:$0x3F98] =	sst s1;
	(tag) =	ssettag s2;
	_ =	strace s9  }
0x27: {  	s1 =	sld [smem:$0x3FA8]  }
0x28: {  	s2 =	sld [smem:$0x3FA9]  }
0x29: {  	s4 =	sld [smem:$0x3FAB]  }
0x2a: {  	p0 =	seq.s32 s5, $0x0;
	s5 =	sld [smem:$0x3FAC]  }
0x2b: {  	s6 =	sld [smem:$0x3FAD]  }
0x2c: {  	s7 =	sld [smem:$0x3FAE]  }
0x2d: {  	s3 =	simm.s32 $0x108;
	s8 =	sld [smem:$0x3FAF]  }
0x2e: {  	s3 =	simm.s32 @!p0 $0x1082;
	s9 =	sld [smem:$0x3FB0]  }
0x2f: {  	lr =	sadd.s32 s0, s3;
	s0 =	sld [smem:$0x3FA7]  }
0x30: {  	s3 =	sld [smem:$0x3FAA]  }
0x31: {  	[smem:$0x3FB3] =	sst s10  }
0x32: {  	s10 =	sld [smem:$0x3FB1];
	_ =	sdelay $0x3  }
0x33: {  	p0 =	seq.s32 s10, $0x1;
	s10 =	sld [smem:$0x3FB3];
	_ =	sdelay $0x3  }
0x34: {  	[smem:$0x3FB3] =	sst s10  }
0x35: {  	s10 =	sld [smem:$0x3FB2];
	_ =	sdelay $0x3  }
0x36: {  	p1 =	seq.s32 s10, $0x1;
	s10 =	sld [smem:$0x3FB3];
	_ =	sdelay $0x3  }
0x37: {  	[smem:$0x3FB3] =	sst s10  }
0x38: {  	s10 =	sld [smem:$0x3FB4]  }
0x39: {  	_ = 	snop;
	(pc) =	sbr.ind lr, $3  }
0x3a: {  	_ = 	snop  }
0x3b: {  	_ = 	snop  }
0x3c: {  	p2 =	seq.s32 s10, $0x1;
	s10 =	sld [smem:$0x3FB3]  }
0x3d: {  	_ =	shalt  }
0x3e: {  	_ =	shalt  }
0x3f: {  	_ =	shalt  }
0x40: {  	_ =	shalt  }
0x41: {  	_ =	shalt  }
0x42: {  	_ =	shalt  }
0x43: {  	_ =	shalt  }
0x44: {  	_ =	shalt  }
0x45: {  	_ =	shalt  }
0x46: {  	_ =	shalt  }
0x47: {  	_ =	shalt  }
0x48: {  	_ =	shalt  }
0x49: {  	_ =	shalt  }
0x4a: {  	_ =	shalt  }
0x4b: {  	_ =	shalt  }
0x4c: {  	_ =	shalt  }
0x4d: {  	_ =	shalt  }
0x4e: {  	_ =	shalt  }
0x4f: {  	_ =	shalt  }
0x50: {  	_ =	shalt  }
0x51: {  	_ =	shalt  }
0x52: {  	_ =	shalt  }
0x53: {  	_ =	shalt  }
0x54: {  	_ =	shalt  }
0x55: {  	_ =	shalt  }
0x56: {  	_ =	shalt  }
0x57: {  	_ =	shalt  }
0x58: {  	_ =	shalt  }
0x59: {  	_ =	shalt  }
0x5a: {  	_ =	shalt  }
0x5b: {  	_ =	shalt  }
0x5c: {  	_ =	shalt  }
0x5d: {  	_ =	shalt  }
0x5e: {  	_ =	shalt  }
0x5f: {  	_ =	shalt  }
0x60: {  	_ =	shalt  }
0x61: {  	_ =	shalt  }
0x62: {  	_ =	shalt  }
0x63: {  	_ =	shalt  }
0x64: {  	_ =	shalt  }
0x65: {  	_ =	shalt  }
0x66: {  	_ =	shalt  }
0x67: {  	_ =	shalt  }
0x68: {  	_ =	shalt  }
0x69: {  	_ =	shalt  }
0x6a: {  	_ =	shalt  }
0x6b: {  	_ =	shalt  }
0x6c: {  	_ =	shalt  }
0x6d: {  	_ =	shalt  }
0x6e: {  	_ =	shalt  }
0x6f: {  	_ =	shalt  }
0x70: {  	_ =	shalt  }
0x71: {  	_ =	shalt  }
0x72: {  	_ =	shalt  }
0x73: {  	_ =	shalt  }
0x74: {  	_ =	shalt  }
0x75: {  	_ =	shalt  }
0x76: {  	_ =	shalt  }
0x77: {  	_ =	shalt  }
0x78: {  	_ =	shalt  }
0x79: {  	_ =	shalt  }
0x7a: {  	_ =	shalt  }
0x7b: {  	_ =	shalt  }
0x7c: {  	_ =	shalt  }
0x7d: {  	_ =	shalt  }
0x7e: {  	_ =	shalt  }
0x7f: {  	_ =	shalt  }
0x80: {  	_ =	shalt  }
0x81: {  	_ =	shalt  }
0x82: {  	_ =	shalt  }
0x83: {  	_ =	shalt  }
0x84: {  	_ =	shalt  }
0x85: {  	_ =	shalt  }
0x86: {  	_ =	shalt  }
0x87: {  	_ =	shalt  }
.Lfunc_end0:
.L_simem_size_0:
called_computation.1_lowered:
.L_overlay_start_0:
0x88: {  	s2 =	sld [smem:$0x3FD9]  }
0x89: {  	s3 =	sld [smem:$0x3FFE];
	_ =	sdelay $0x1  }
0x8a: {  	s1 =	srdreg.scid  }
0x8b: {  	s0 =	sand.u32 $0x1, s1  }
0x8c: {  	s14 =	sshll.u32 s0, $0xA;
	s2 =	sadd.s32 s3, s2  }
0x8d: {  	s2 =	sadd.s32 s2, s14  }
0x8e: {  	[smem:$0x3FBF] =	sst s2  }
0x8f: {  	_ = 	snop  }
0x90: {  	s2 =	sld [smem:$0x3FD0];
	_ =	sdelay $0x2  }
0x91: {  	s15 =	simm.s32 $0xA;
	s4 =	simm.s32 $0x10  }
0x92: {  	[smem:s4], [sflag:s15] =	dma.local [hbm:s2], $0x1  }
0x93: {  	_ =	swait.eq [sflag:s15], $0x1  }
0x94: {  	[sflag:s15] =	ssyncset.done $0x0  }
0x95: {  	[sflag:s15] =	ssyncadd.s32 $0xFFFFFFFF  }
0x96: {  	s16 =	sld [smem:$0x14];
	(tm) =	ssettm $0x1  }
0x97: {  	s17 =	sld [smem:$0x3FFB];
	_ =	sdelay $0x3  }
0x98: {  	_ =	strace s17  }
0x99: {  	s3 =	sld [smem:$0x3FFC];
	_ =	sdelay $0x3  }
0x9a: {  	_ =	strace s3  }
0x9b: {  	s3 =	sld [smem:$0x3FFD];
	_ =	sdelay $0x3  }
0x9c: {  	_ =	strace s3  }
0x9d: {  	_ =	strace $0x8FFFFFFF  }
0x9e: {  	s18 =	sld [smem:$0x3FDB];
	_ =	sdelay $0x1  }
0x9f: {  	s19 =	simm.s32 $_scs_section_size  }
0xa0: {  	s5 =	simm.s32 $_size__tile_overlayer_lowered;
	s6 =	simm.s32 $_tile_overlayer_lowered  }
0xa1: {  	s22 =	simm.s32 $0x1BFF;
	s21 =	sshll.u32 s6, $0x1;
	s3 =	sadd.s32 s19, s18  }
0xa2: {  	s7 =	simm.s32 $0x0;
	s20 =	sshll.u32 s5, $0x1;
	s5 =	sadd.s32 s21, s3  }
0xa3: {  	[timem:s7], [sflag:s22] =	dma.local [hbm:s5], s20  }
0xa4: {  	_ =	swait.ge [sflag:s22], s20  }
0xa5: {  	s4 =	ssub.s32 $0x0, s20;
	[sflag:s22] =	ssyncset.done $0x0  }
0xa6: {  	[sflag:s22] =	ssyncadd.s32 s4;
	_ =	sdelay $0x1  }
0xa7: {  	s23 =	simm.s32 $0x1B8B  }
0xa8: {  	_ =	swait.ge [sflag:s23], $0x1  }
0xa9: {  	[sflag:s23] =	ssyncset.done $0x0  }
0xaa: {  	s25 =	simm.s32 $0x1B8E;
	s24 =	sld [smem:$0x3FFE];
	[sflag:s23] =	ssyncadd.s32 $0xFFFFFFFF  }
0xab: {  	s26 =	simm.s32 $execute0_lowered;
	[smem:$0x3FD2] =	sst s25  }
0xac: {  	s5 =	sshll.u32 s26, $0x1;
	_ =	strace $0x80000046;
	[dreg:$0x1] =	wrdreg $0xFFFFFFFF  }
0xad: {  	s28 =	simm.s32 $_size_execute0_lowered;
	s3 =	sadd.s32 s3, s5;
	[dreg:$0x0] =	wrdreg $0x0  }
0xae: {  	s5 =	sshll.u32 s28, $0x1;
	[dreg:$0x2] =	wrdreg s3  }
0xaf: {  	[dreg:$0x3] =	wrdreg s5  }
0xb0: {  	[dreg:$0x4] =	wrdreg $0xC0  }
0xb1: {  	_ =	task [dreg:s7], $0x5FFFF  }
0xb2: {  	[dreg:$0x1] =	wrdreg $0xFFFFFFFF  }
0xb3: {  	[dreg:$0x0] =	wrdreg $0x60  }
0xb4: {  	[dreg:$0x2] =	wrdreg s16  }
0xb5: {  	[dreg:$0x3] =	wrdreg s24  }
0xb6: {  	[dreg:$0x4] =	wrdreg $0x9  }
0xb7: {  	_ =	task.clear_ibuf [dreg:s7], $0x5FFFF;
	_ =	strace $0x90000046  }
0xb8: {  	s29 =	simm.s32 $0x9;
	_ =	strace $0x80000048  }
0xb9: {  	_ =	swait.ge [sflag:s29], $0x1  }
0xba: {  	[sflag:s29] =	ssyncadd.s32 $0xFFFFFFFF  }
0xbb: {  	_ =	strace $0x90000048  }
0xbc: {  	_ =	sfence  }
0xbd: {  	s30 =	sld [smem:$0x0];
	_ =	sdelay $0x2  }
0xbe: {  	s31 =	sshll.u32 s1, $0xD;
	s1 =	sshrl.u32 s1, $0x2  }
0xbf: {  	s3 =	sand.u32 $0x4000, s31;
	s1 =	sadd.s32 s1, s30  }
0xc0: {  	s0 =	sor.u32 s3, s0;
	s1 =	sshll.u32 s1, $0x11  }
0xc1: {  	s0 =	sor.u32 s1, s0  }
0xc2: {  	s0 =	sadd.s32 $0x8F2B, s0  }
0xc3: {  	[sflag:s0] =	ssyncadd.remote.s32 $0x1  }
0xc4: {  	_ =	sfence.sel $0xFFFF  }
0xc5: {  	[dreg:$0x0] =	wrdreg $0xFFFFFFFF;
	(pc) =	sbr.abs _section_cstart, $3  }
0xc6: {  	[dreg:$0x1] =	wrdreg $0xFFFFFFFF  }
0xc7: {  	_ =	task.clear_ibuf [dreg:s7], $0x2FFFF;
	_ =	strace $0x9FFFFFFF  }
0xc8: {  	(tm) =	ssettm $0x7FFFFFFF  }
0xc9: {  	_ =	shalt  }
tec
execute0_lowered:
.L_overlay_start_1:
0x0: {  	(tag) =	ssettag $0x1  }
0x1: {  	s2 =	rddreg [dreg:$0x0]  }
0x2: {  	s3 =	rddreg [dreg:$0x1];
	s1 =	stileid.u32  }
0x3: {  	s4 =	srdreg.scid;
	s0 =	rddreg [dreg:$0x2];
	_ =	strace $0x80000047  }
0x4: {  	s7 =	simm.s32 $0x1;
	s8 =	simm.s32 $0x1;
	s9 =	simm.s32 $0x3  }
0x5: {  	s10 =	simm.s32 $0x0;
	s5 =	sand.u32 $0x1, s4;
	s6 =	sshll.u32 s1, $0x1  }
0x6: {  	s13 =	simm.s32 $0x0;
	s4 =	simm.s32 $0x1;
	s5 =	sor.u32 s6, s5  }
.Ltmp0:
0x7: {  	[sflag:s4] =	ssyncpa.u1 $0x0;
	p0 =	slt.u32 s5, $0x13;
	(pc) =	sbr.rel .LBB2_1-.Ltmp0, $4  }
0x8: {  	s6 =	simm.s32 $0x2;
	s7 =	simm.s32 @!p0 $0x0;
	p0 =	sne.s32 s5, $0x12  }
0x9: {  	[sflag:s6] =	ssyncpa.u1 $0x0;
	s5 =	smul.u32 $0x1E0, s5;
	s8 =	simm.s32 @!p0 $0x0  }
0xa: {  	s12 =	simm.s32 $0x0;
	[sflag:s9] =	ssyncpa.u1 $0x0;
	s7 =	sadd.s32 s8, s7  }
0xb: {  	vm0 =	vmmov $0xffff;
	s8 =	sadd.s32 $0xC00, s3;
	s11 =	smov.u32 s5;
	s9 =	sadd.s32 $0x1, s7  }
.LBB2_4:
0xc: {  	vm1 =	veq.s32 v4, $0x80000000;
	v56 =	vand.u32 $0x1, v4;
	v6 =	vand.u32 $0x7FFF, v6  }
0xd: {  	v2 =	vor.u32 v2, v5;
	v59 =	vshrl.u32 v1, $0x1;
	v60 =	vand.u32 $0x1, v1  }
0xe: {  	v4 =	vsel vm1, $0xFFFFFFFF, v56;
	v6 =	vsel vm1, $0xFFFFFFFF, v6;
	v2 =	vor.u32 v3, v2  }
0xf: {  	vm1 =	veq.s32 v1, $0x80000000;
	v5 =	vand.u32 $0x7FFF, v59;
	v7 =	vshrl.u32 v4, $0x1  }
0x10: {  	v57 =	vshll.u32 v6, $0x1;
	v4 =	vshll.u32 v4, $0x7;
	v1 =	vsel vm1, $0xFFFFFFFF, v60  }
0x11: {  	v5 =	vsel vm1, $0xFFFFFFFF, v5;
	v6 =	vand.u32 $0x7F, v6;
	v7 =	vmul.u32 $0xB000, v7  }
0x12: {  	v58 =	vand.u32 $0xFFFFFF00, v57;
	v4 =	vand.u32 $0x80, v4;
	v61 =	vshrl.u32 v1, $0x1  }
0x13: {  	v62 =	vshll.u32 v5, $0x1;
	v3 =	vadd.s32 v7, v58;
	v7 =	vmul.u32 $0xB000, v61  }
0x14: {  	v1 =	vshll.u32 v1, $0x7;
	v3 =	vor.u32 v4, v3;
	v4 =	vand.u32 $0xFFFFFF00, v62  }
0x15: {  	v1 =	vand.u32 $0x80, v1;
	v3 =	vor.u32 v6, v3;
	v4 =	vadd.s32 v7, v4  }
0x16: {  	[tilespmem:s16], [sflag:$0x1] =	stream.indirect_vreg.gather [hbm4b:s2+s10], $0x1, v0, vm0, $0x4038;
	v63 =	vand.u32 $0x7F, v5;
	v1 =	vor.u32 v1, v4;
	[tilespmem:$0x780] =	vst v63  }
0x17: {  	s15 =	sadd.s32 $0x10, s15;
	(ifvalue) =	ssetifvalue $0x7FFFFFFF;
	v0 =	vor.u32 v63, v1  }
0x18: {  	[tilespmem:s15], [sflag:$0x1] =	stream.indirect_vreg.gather [hbm4b:s2+s10], $0x1, v2, vm0, $0x4038;
	[tilespmem:$0x780] =	vst v63  }
0x19: {  	s15 =	sadd.s32 $0x10, s15;
	(ifvalue) =	ssetifvalue $0x7FFFFFFF  }
0x1a: {  	[tilespmem:s15], [sflag:$0x1] =	stream.indirect_vreg.gather [hbm4b:s2+s10], $0x1, v3, vm0, $0x4038;
	[tilespmem:$0x780] =	vst v63  }
0x1b: {  	s15 =	sadd.s32 $0x10, s15;
	(ifvalue) =	ssetifvalue $0x7FFFFFFF  }
0x1c: {  	[tilespmem:s15], [sflag:$0x1] =	stream.indirect_vreg.gather [hbm4b:s2+s10], $0x1, v0, vm0, $0x4038;
	[tilespmem:$0x780] =	vst v63  }
0x1d: {  	_ =	swait.ge [sflag:s4], $0x1E0  }
0x1e: {  	s30 =	sshrl.u32 s13, $0x3;
	[sflag:s4] =	ssyncset.done $0x0  }
0x1f: {  	s31 =	sand.u32 $0x7, s13;
	s15 =	sadd.s32 s8, s30;
	[sflag:s4] =	ssyncadd.s32 $0xFFFFFE20  }
0x20: {  	[hbm4b:s15+s31] =	stream.linear.scatter [tilespmem:s14], [sflag:$0x3], $0x1E0, $0x38;
	[tilespmem:$0x780] =	vst v63  }
.LBB2_5:
0x21: {  	s15 =	sadd.s32 $0x3C00, s11  }
0x22: {  	p1 =	sgt.s32 s15, $0x5DBF  }
0x23: {  	s15 =	smov.u32 @p1 s5;
	p1 =	sne.s32 s12, s9  }
.Ltmp1:
0x24: {  	p0 =	slt.u32 s12, $0x2;
	(pc) =	sbr.rel @!p1 .LBB2_6-.Ltmp1, $4  }
0x25: {  	s14 =	simm.s32 @!p0 $0x3  }
0x26: {  	_ =	swait.ge @!p0 [sflag:s14], $0x1E0  }
0x27: {  	s16 =	sadd.s32 $0x1, s12;
	s13 =	smov.u32 s11;
	[sflag:s14] =	ssyncset.done @!p0 $0x0  }
0x28: {  	s12 =	smov.u32 s16;
	s11 =	smov.u32 s15;
	[sflag:s14] =	ssyncadd.s32 @!p0 $0xFFFFFE20  }
.LBB2_1:
0x29: {  	p0 =	sge.u32 s12, s7  }
0x2a: {  	s14 =	sxor.u32 @!p0 $0x1, s12  }
0x2b: {  	s14 =	smul.u32 @!p0 $0x780, s14  }
0x2c: {  	s31 =	sadd.s32 $0xFFFFFFFF, s12;
	s15 =	sshrl.u32 @!p0 s11, $0x3  }
0x2d: {  	s16 =	sand.u32 @!p0 $0x7, s11;
	s15 =	sadd.s32 @!p0 s3, s15;
	s14 =	sshra.s32 @!p0 s14, $0x2  }
0x2e: {  	[tilespmem:s14], [sflag:$0x2] =	stream.linear.gather @!p0 [hbm4b:s15+s16], $0x1E0, $0x38;
	[tilespmem:$0x780] =	vst v63  }
0x2f: {  	p0 =	sge.u32 s31, s7  }
.Ltmp2:
0x30: {  	_ = 	snop;
	(pc) =	sbr.rel @p0 .LBB2_5-.Ltmp2, $1  }
0x31: {  	_ =	sdelay $0x3  }
0x32: {  	s14 =	sand.u32 $0x1, s12  }
0x33: {  	_ =	swait.ge [sflag:s6], $0x1E0;
	p0 =	seq.s32 s14, $0x1;
	s14 =	simm.s32 $0x1E0  }
0x34: {  	[sflag:s6] =	ssyncset.done $0x0;
	s14 =	simm.s32 @!p0 $0x0  }
0x35: {  	[sflag:s6] =	ssyncadd.s32 $0xFFFFFE20;
	(ifvalue) =	ssetifvalue $0x7FFFFFFF;
	v0 =	vld.msk [tilespmem:s14+$0x0 ss:$0x1], $0xffff  }
0x36: {  	s15 =	sadd.s32 $0x10, s14  }
0x37: {  	v1 =	vld.msk [tilespmem:s15+$0x0 ss:$0x1], $0xffff;
	_ =	sdelay $0x2  }
0x38: {  	v2 =	vshrl.u32 v0, $0x1  }
0x39: {  	vm1 =	veq.s32 v0, $0x80000000;
	v0 =	vand.u32 $0x1, v0;
	v2 =	vand.u32 $0x7FFF, v2  }
0x3a: {  	v0 =	vsel vm1, $0xFFFFFFFF, v0;
	v6 =	vshrl.u32 v1, $0x1;
	v2 =	vsel vm1, $0xFFFFFFFF, v2  }
0x3b: {  	v3 =	vshrl.u32 v0, $0x1;
	v0 =	vshll.u32 v0, $0x7;
	vm1 =	veq.s32 v1, $0x80000000  }
0x3c: {  	s15 =	sadd.s32 $0x10, s15;
	v1 =	vand.u32 $0x1, v1;
	v4 =	vshll.u32 v2, $0x1;
	v3 =	vmul.u32 $0xB000, v3  }
0x3d: {  	v0 =	vand.u32 $0x80, v0;
	v7 =	vand.u32 $0x7F, v2;
	v5 =	vand.u32 $0xFFFFFF00, v4;
	v4 =	vld.msk [tilespmem:s15+$0x0 ss:$0x1], $0xffff  }
0x3e: {  	v1 =	vsel vm1, $0xFFFFFFFF, v1;
	v2 =	vadd.s32 v3, v5;
	v3 =	vand.u32 $0x7FFF, v6  }
0x3f: {  	v3 =	vsel vm1, $0xFFFFFFFF, v3;
	v0 =	vor.u32 v0, v2;
	v2 =	vshrl.u32 v1, $0x1  }
0x40: {  	v1 =	vshll.u32 v1, $0x7;
	v5 =	vshll.u32 v3, $0x1;
	v8 =	vmul.u32 $0xB000, v2  }
0x41: {  	s18 =	simm.s32 $0x30;
	s14 =	sadd.s32 $0x3C0, s14;
	s17 =	sadd.s32 $0x10, s15;
	v2 =	vand.u32 $0x80, v1;
	v0 =	vor.u32 v7, v0;
	v5 =	vand.u32 $0xFFFFFF00, v5  }
0x42: {  	s16 =	smov.u32 s14;
	s15 =	smov.u32 s14;
	v1 =	vld.msk [tilespmem:s17+$0x0 ss:$0x1], $0xffff;
	v3 =	vand.u32 $0x7F, v3;
	(ifvalue) =	ssetifvalue $0x7FFFFFFF;
	v6 =	vshrl.u32 v4, $0x1;
	v5 =	vadd.s32 v8, v5  }
.LBB2_3:
0x43: {  	s18 =	sadd.s32 $0x10, s18  }
0x44: {  	vm1 =	veq.s32 v4, $0x80000000;
	v4 =	vand.u32 $0x1, v4;
	v6 =	vand.u32 $0x7FFF, v6;
	s15 =	sadd.s32 $0x10, s15;
	p0 =	slt.u32 s18, $0x1D0  }
.Ltmp3:
0x45: {  	v5 =	vor.u32 v2, v5;
	v4 =	vsel vm1, $0xFFFFFFFF, v4;
	v7 =	vsel vm1, $0xFFFFFFFF, v6;
	(pc) =	sbr.rel @p0 .LBB2_3-.Ltmp3, $4  }
0x46: {  	v2 =	vshrl.u32 v4, $0x1;
	v6 =	vshll.u32 v7, $0x1;
	v4 =	vshll.u32 v4, $0x7;
	[tilespmem:s16], [sflag:$0x1] =	stream.indirect_vreg.gather [hbm4b:s2+s10], $0x1, v0, vm0, $0x4038;
	[tilespmem:$0x780] =	vst v63  }
0x47: {  	v0 =	vor.u32 v3, v5;
	s16 =	smov.u32 s15;
	v8 =	vmul.u32 $0xB000, v2;
	v2 =	vand.u32 $0x80, v4  }
0x48: {  	s17 =	sadd.s32 $0x10, s17;
	v9 =	vand.u32 $0xFFFFFF00, v6  }
0x49: {  	v3 =	vand.u32 $0x7F, v7;
	v6 =	vshrl.u32 v1, $0x1;
	v5 =	vadd.s32 v8, v9;
	(ifvalue) =	ssetifvalue $0x7FFFFFFF;
	v4 =	vmovc v1;
	v1 =	vld.msk [tilespmem:s17+$0x0 ss:$0x1], $0xffff  }
.Ltmp4:
0x4a: {  	_ = 	snop;
	(pc) =	sbr.rel .LBB2_4-.Ltmp4, $1  }
0x4b: {  	_ =	sdelay $0x3  }
.LBB2_6:
0x4c: {  	_ =	sfence.sel $0x180000  }
0x4d: {  	s2 =	simm.s32 $0x2;
	[bflag:$0x0] =	sbarrier.arrive $0xFFFF  }
0x4e: {  	s30 =	simm.s32 $0x3;
	[sflag:s2] =	ssyncpa.u1 $0x1  }
0x4f: {  	s31 =	simm.s32 $0x1;
	[sflag:s30] =	ssyncpa.u1 $0x1  }
0x50: {  	[sflag:s31] =	ssyncpa.u1 $0x1  }
0x51: {  	p0 =	sne.s32 s1, $0x0;
	_ =	strace $0x90000047  }
0x52: {  	s0 =	sadd.s32 @!p0 $0x100000, s0;
	[bflag:$0x2] =	sbarrier.arrive $0xFFFF  }
0x53: {  	[sflag:s0] =	ssyncadd.tile.s32 @!p0 $0x1;
	_ =	shalt  }
.Lfunc_end2:
_tile_overlayer_lowered:
.L_overlay_start_2:
0x54: {  	(tag) =	ssettag $0x2  }
0x55: {  	s0 =	rddreg [dreg:$0x0];
	s2 =	stileid.u32  }
0x56: {  	s1 =	rddreg [dreg:$0x1];
	p0 =	sne.s32 s2, $0x0  }
0x57: {  	s3 =	rddreg [dreg:$0x2];
	[bflag:$0x3] =	sbarrier.arrive $0xFFFF;
	s2 =	simm.s32 @!p0 $0x1C01  }
0x58: {  	[timem:s3], [sflag:s2] =	dma.local @!p0 [hbm:s0], s1  }
0x59: {  	s0 =	simm.s32 @!p0 $0x1  }
0x5a: {  	_ =	swait.ge @!p0 [sflag:s0], s1  }
0x5b: {  	s1 =	ssub.s32 @!p0 $0x0, s1;
	[sflag:s0] =	ssyncset.done @!p0 $0x0  }
0x5c: {  	[sflag:s0] =	ssyncadd.s32 @!p0 s1  }
0x5d: {  	[bflag:$0x3] =	sbarrier.arrive $0xFFFF  }
0x5e: {  	_ =	shalt  }

// kernel: gather_offload_async_start
scs
__scs_entry_jumppad:
0x0: {  	(pc) =	sbr.rel $0x88, $3  }
0x1: {  	(tag) =	ssettag $0x0;
	lr =	simm.s32 $0x1  }
0x2: {  	[smem:$0x3F98] =	sst lr;
	_ =	strace $0xD0000000  }
0x3: {  	_ = 	snop  }
0x4: {  	_ = 	snop  }
0x5: {  	_ = 	snop  }
0x6: {  	_ = 	snop  }
0x7: {  	_ = 	snop  }
__scs_overlays_trampoline_lowered:
0x8: {  	[smem:$0x3FA7] =	sst s0  }
0x9: {  	[smem:$0x3FA8] =	sst s1  }
0xa: {  	[smem:$0x3FA9] =	sst s2  }
0xb: {  	[smem:$0x3FAA] =	sst s3  }
0xc: {  	[smem:$0x3FAB] =	sst s4  }
0xd: {  	[smem:$0x3FAC] =	sst s5  }
0xe: {  	[smem:$0x3FAD] =	sst s6  }
0xf: {  	[smem:$0x3FAE] =	sst s7  }
0x10: {  	[smem:$0x3FAF] =	sst s8  }
0x11: {  	[smem:$0x3FB0] =	sst s9;
	s0 =	simm.s32 @!p0 $0x0  }
0x12: {  	s1 =	sld [smem:$0x3F96];
	s0 =	simm.s32 @p0 $0x1  }
0x13: {  	[smem:$0x3FB1] =	sst s0;
	s0 =	simm.s32 @!p1 $0x0  }
0x14: {  	s2 =	sld [smem:$0x3F95];
	s0 =	simm.s32 @p1 $0x1  }
0x15: {  	[smem:$0x3FB2] =	sst s0;
	s0 =	simm.s32 @!p2 $0x0  }
0x16: {  	s3 =	sld [smem:$0x3FDB];
	s0 =	simm.s32 @p2 $0x1  }
0x17: {  	s4 =	simm.s32 $0x1BF5;
	[smem:$0x3FB4] =	sst s0  }
0x18: {  	s0 =	sld [smem:$0x3F97];
	_ =	swait.ge [sflag:s4], $0x0  }
0x19: {  	s7 =	sld [smem:$0x3F98]  }
0x1a: {  	s8 =	sadd.s32 $0xFFFFE003, lr  }
0x1b: {  	s9 =	sadd.s32 $0xFFFFFEF7, lr;
	s5 =	simm.s32 $0xFFFFFFFF;
	p2 =	slt.u32 s8, $0xFFFFF086  }
0x1c: {  	p1 =	slt.u32 s9, $0xF7A;
	s5 =	simm.s32 @!p2 $0x0  }
0x1d: {  	s5 =	simm.s32 @p1 $0x1;
	p0 =	seq.s32 s7, s2  }
0x1e: {  	s7 =	smul.u32 @!p0 $0xF7A, s2;
	p2 =	seq.s32 @!p0 s5, $0x0  }
0x1f: {  	s9 =	smul.u32 $0xF7A, s1;
	s8 =	simm.s32 @!p0 $0x1BF5;
	p2 =	por !p2, p0  }
0x20: {  	[sflag:s8] =	ssyncset.s32 @!p0 $0xFFFFF086;
	s6 =	sadd.s32 @!p0 s3, s7;
	s7 =	simm.s32 @!p0 $0x108  }
0x21: {  	s3 =	sadd.s32 s3, s9;
	s6 =	sadd.s32 @!p0 $0x88, s6;
	s7 =	simm.s32 @p2 $0x1082  }
0x22: {  	[simem:s7], [sflag:s8] =	dma.local @!p0 [hbm:s6], $0xF7A  }
0x23: {  	s9 =	sor.u32 $0xD0000000, s2;
	s6 =	simm.s32 $0x108;
	_ =	swait.ge @!p0 [sflag:s8], $0x0  }
0x24: {  	s3 =	sadd.s32 $0x88, s3;
	s6 =	simm.s32 @!p1 $0x1082;
	[sflag:s4] =	ssyncset.s32 $0xFFFFF086  }
0x25: {  	[simem:s6], [sflag:s4] =	dma.local [hbm:s3], $0xF7A  }
0x26: {  	[smem:$0x3F98] =	sst s1;
	(tag) =	ssettag s2;
	_ =	strace s9  }
0x27: {  	s1 =	sld [smem:$0x3FA8]  }
0x28: {  	s2 =	sld [smem:$0x3FA9]  }
0x29: {  	s4 =	sld [smem:$0x3FAB]  }
0x2a: {  	p0 =	seq.s32 s5, $0x0;
	s5 =	sld [smem:$0x3FAC]  }
0x2b: {  	s6 =	sld [smem:$0x3FAD]  }
0x2c: {  	s7 =	sld [smem:$0x3FAE]  }
0x2d: {  	s3 =	simm.s32 $0x108;
	s8 =	sld [smem:$0x3FAF]  }
0x2e: {  	s3 =	simm.s32 @!p0 $0x1082;
	s9 =	sld [smem:$0x3FB0]  }
0x2f: {  	lr =	sadd.s32 s0, s3;
	s0 =	sld [smem:$0x3FA7]  }
0x30: {  	s3 =	sld [smem:$0x3FAA]  }
0x31: {  	[smem:$0x3FB3] =	sst s10  }
0x32: {  	s10 =	sld [smem:$0x3FB1];
	_ =	sdelay $0x3  }
0x33: {  	p0 =	seq.s32 s10, $0x1;
	s10 =	sld [smem:$0x3FB3];
	_ =	sdelay $0x3  }
0x34: {  	[smem:$0x3FB3] =	sst s10  }
0x35: {  	s10 =	sld [smem:$0x3FB2];
	_ =	sdelay $0x3  }
0x36: {  	p1 =	seq.s32 s10, $0x1;
	s10 =	sld [smem:$0x3FB3];
	_ =	sdelay $0x3  }
0x37: {  	[smem:$0x3FB3] =	sst s10  }
0x38: {  	s10 =	sld [smem:$0x3FB4]  }
0x39: {  	_ = 	snop;
	(pc) =	sbr.ind lr, $3  }
0x3a: {  	_ = 	snop  }
0x3b: {  	_ = 	snop  }
0x3c: {  	p2 =	seq.s32 s10, $0x1;
	s10 =	sld [smem:$0x3FB3]  }
0x3d: {  	_ =	shalt  }
0x3e: {  	_ =	shalt  }
0x3f: {  	_ =	shalt  }
0x40: {  	_ =	shalt  }
0x41: {  	_ =	shalt  }
0x42: {  	_ =	shalt  }
0x43: {  	_ =	shalt  }
0x44: {  	_ =	shalt  }
0x45: {  	_ =	shalt  }
0x46: {  	_ =	shalt  }
0x47: {  	_ =	shalt  }
0x48: {  	_ =	shalt  }
0x49: {  	_ =	shalt  }
0x4a: {  	_ =	shalt  }
0x4b: {  	_ =	shalt  }
0x4c: {  	_ =	shalt  }
0x4d: {  	_ =	shalt  }
0x4e: {  	_ =	shalt  }
0x4f: {  	_ =	shalt  }
0x50: {  	_ =	shalt  }
0x51: {  	_ =	shalt  }
0x52: {  	_ =	shalt  }
0x53: {  	_ =	shalt  }
0x54: {  	_ =	shalt  }
0x55: {  	_ =	shalt  }
0x56: {  	_ =	shalt  }
0x57: {  	_ =	shalt  }
0x58: {  	_ =	shalt  }
0x59: {  	_ =	shalt  }
0x5a: {  	_ =	shalt  }
0x5b: {  	_ =	shalt  }
0x5c: {  	_ =	shalt  }
0x5d: {  	_ =	shalt  }
0x5e: {  	_ =	shalt  }
0x5f: {  	_ =	shalt  }
0x60: {  	_ =	shalt  }
0x61: {  	_ =	shalt  }
0x62: {  	_ =	shalt  }
0x63: {  	_ =	shalt  }
0x64: {  	_ =	shalt  }
0x65: {  	_ =	shalt  }
0x66: {  	_ =	shalt  }
0x67: {  	_ =	shalt  }
0x68: {  	_ =	shalt  }
0x69: {  	_ =	shalt  }
0x6a: {  	_ =	shalt  }
0x6b: {  	_ =	shalt  }
0x6c: {  	_ =	shalt  }
0x6d: {  	_ =	shalt  }
0x6e: {  	_ =	shalt  }
0x6f: {  	_ =	shalt  }
0x70: {  	_ =	shalt  }
0x71: {  	_ =	shalt  }
0x72: {  	_ =	shalt  }
0x73: {  	_ =	shalt  }
0x74: {  	_ =	shalt  }
0x75: {  	_ =	shalt  }
0x76: {  	_ =	shalt  }
0x77: {  	_ =	shalt  }
0x78: {  	_ =	shalt  }
0x79: {  	_ =	shalt  }
0x7a: {  	_ =	shalt  }
0x7b: {  	_ =	shalt  }
0x7c: {  	_ =	shalt  }
0x7d: {  	_ =	shalt  }
0x7e: {  	_ =	shalt  }
0x7f: {  	_ =	shalt  }
0x80: {  	_ =	shalt  }
0x81: {  	_ =	shalt  }
0x82: {  	_ =	shalt  }
0x83: {  	_ =	shalt  }
0x84: {  	_ =	shalt  }
0x85: {  	_ =	shalt  }
0x86: {  	_ =	shalt  }
0x87: {  	_ =	shalt  }
.Lfunc_end0:
.L_simem_size_0:
called_computation_lowered:
.L_overlay_start_0:
0x88: {  	s2 =	sld [smem:$0x3FD9]  }
0x89: {  	s3 =	sld [smem:$0x3FFE];
	_ =	sdelay $0x1  }
0x8a: {  	s1 =	srdreg.scid  }
0x8b: {  	s0 =	sand.u32 $0x1, s1  }
0x8c: {  	s16 =	sshll.u32 s0, $0xA;
	s2 =	sadd.s32 s3, s2  }
0x8d: {  	s2 =	sadd.s32 s2, s16  }
0x8e: {  	[smem:$0x3FBF] =	sst s2  }
0x8f: {  	_ = 	snop  }
0x90: {  	(tm) =	ssettm $0x1  }
0x91: {  	s17 =	sld [smem:$0x3FFB];
	_ =	sdelay $0x3  }
0x92: {  	_ =	strace s17  }
0x93: {  	s2 =	sld [smem:$0x3FFC];
	_ =	sdelay $0x3  }
0x94: {  	_ =	strace s2  }
0x95: {  	s2 =	sld [smem:$0x3FFD];
	_ =	sdelay $0x3  }
0x96: {  	_ =	strace s2  }
0x97: {  	_ =	strace $0x8FFFFFFF  }
0x98: {  	s18 =	sld [smem:$0x3FDB];
	_ =	sdelay $0x1  }
0x99: {  	s19 =	simm.s32 $_scs_section_size  }
0x9a: {  	s4 =	simm.s32 $_size__tile_overlayer_lowered;
	s5 =	simm.s32 $_tile_overlayer_lowered  }
0x9b: {  	s22 =	simm.s32 $0x1BFF;
	s21 =	sshll.u32 s5, $0x1;
	s2 =	sadd.s32 s19, s18  }
0x9c: {  	s6 =	simm.s32 $0x0;
	s20 =	sshll.u32 s4, $0x1;
	s4 =	sadd.s32 s21, s2  }
0x9d: {  	[timem:s6], [sflag:s22] =	dma.local [hbm:s4], s20  }
0x9e: {  	_ =	swait.ge [sflag:s22], s20  }
0x9f: {  	s3 =	ssub.s32 $0x0, s20;
	[sflag:s22] =	ssyncset.done $0x0  }
0xa0: {  	[sflag:s22] =	ssyncadd.s32 s3;
	_ =	sdelay $0x1  }
0xa1: {  	s23 =	simm.s32 $0x1B8B  }
0xa2: {  	_ =	swait.ge [sflag:s23], $0x1  }
0xa3: {  	[sflag:s23] =	ssyncset.done $0x0  }
0xa4: {  	s25 =	simm.s32 $0x1B8E;
	s24 =	sld [smem:$0x3FFE];
	[sflag:s23] =	ssyncadd.s32 $0xFFFFFFFF  }
0xa5: {  	s26 =	simm.s32 $execute0_lowered;
	[smem:$0x3FD2] =	sst s25  }
0xa6: {  	s4 =	sshll.u32 s26, $0x1;
	_ =	strace $0x80000049;
	[dreg:$0x1] =	wrdreg $0xFFFFFFFF  }
0xa7: {  	s28 =	simm.s32 $_size_execute0_lowered;
	s2 =	sadd.s32 s2, s4;
	[dreg:$0x0] =	wrdreg $0x0  }
0xa8: {  	s4 =	sshll.u32 s28, $0x1;
	[dreg:$0x2] =	wrdreg s2  }
0xa9: {  	[dreg:$0x3] =	wrdreg s4  }
0xaa: {  	[dreg:$0x4] =	wrdreg $0xC0  }
0xab: {  	_ =	task [dreg:s6], $0x5FFFF  }
0xac: {  	[dreg:$0x1] =	wrdreg $0xFFFFFFFF  }
0xad: {  	[dreg:$0x0] =	wrdreg $0x60  }
0xae: {  	[dreg:$0x2] =	wrdreg s24  }
0xaf: {  	[dreg:$0x3] =	wrdreg $0x9  }
0xb0: {  	_ =	task.clear_ibuf [dreg:s6], $0x4FFFF;
	_ =	strace $0x90000049  }
0xb1: {  	s29 =	simm.s32 $0x9;
	_ =	strace $0x8000004B  }
0xb2: {  	_ =	swait.ge [sflag:s29], $0x1  }
0xb3: {  	[sflag:s29] =	ssyncadd.s32 $0xFFFFFFFF  }
0xb4: {  	_ =	strace $0x9000004B  }
0xb5: {  	_ =	sfence  }
0xb6: {  	s30 =	sld [smem:$0x0];
	_ =	sdelay $0x2  }
0xb7: {  	s31 =	sshll.u32 s1, $0xD;
	s1 =	sshrl.u32 s1, $0x2  }
0xb8: {  	s3 =	sand.u32 $0x4000, s31;
	s1 =	sadd.s32 s1, s30  }
0xb9: {  	s0 =	sor.u32 s3, s0;
	s1 =	sshll.u32 s1, $0x11  }
0xba: {  	s0 =	sor.u32 s1, s0  }
0xbb: {  	s0 =	sadd.s32 $0x8F2B, s0  }
0xbc: {  	[sflag:s0] =	ssyncadd.remote.s32 $0x1  }
0xbd: {  	_ =	sfence.sel $0xFFFF  }
0xbe: {  	[dreg:$0x0] =	wrdreg $0xFFFFFFFF;
	(pc) =	sbr.abs _section_cstart, $3  }
0xbf: {  	[dreg:$0x1] =	wrdreg $0xFFFFFFFF  }
0xc0: {  	_ =	task.clear_ibuf [dreg:s6], $0x2FFFF;
	_ =	strace $0x9FFFFFFF  }
0xc1: {  	(tm) =	ssettm $0x7FFFFFFF  }
tec
execute0_lowered:
.L_overlay_start_1:
0x0: {  	(tag) =	ssettag $0x1  }
0x1: {  	s0 =	srdreg.scid  }
0x2: {  	s1 =	sshll.u32 s0, $0x4  }
0x3: {  	s0 =	stileid.u32;
	s1 =	sand.u32 $0x10, s1  }
0x4: {  	s2 =	sor.u32 s0, s1  }
0x5: {  	s1 =	smin.u32 s2, $0x1C  }
0x6: {  	s1 =	sadd.s32 s2, s1  }
0x7: {  	p0 =	slt.u32 s2, $0x1C;
	s2 =	simm.s32 $0x320;
	s1 =	smul.u32 $0x190, s1  }
0x8: {  	s2 =	simm.s32 @!p0 $0x190  }
0x9: {  	s2 =	sadd.s32 s2, s1  }
0xa: {  	s3 =	smin.u32 s2, $0x5DC0  }
0xb: {  	s7 =	ssub.s32 s3, s1  }
0xc: {  	p0 =	sgt.s32 s7, $0x0  }
0xd: {  	s7 =	simm.s32 @!p0 $0x0  }
0xe: {  	s31 =	sand.u32 $0xFFF0, s7  }
0xf: {  	s2 =	sshrl.u32 s31, $0x4  }
0x10: {  	s2 =	smul.u32 $0xA3E, s2  }
0x11: {  	s4 =	rddreg [dreg:$0x0];
	s6 =	simm.s32 $0x1  }
0x12: {  	s10 =	simm.s32 $0x3;
	s13 =	simm.s32 $0x0;
	s8 =	sshrl.u32 s2, $0x10  }
0x13: {  	s12 =	simm.s32 $0x0;
	s5 =	sadd.s32 $0x1800, s4;
	s9 =	smul.u32 $0x190, s8  }
.Ltmp0:
0x14: {  	s11 =	smov.u32 s1;
	s2 =	rddreg [dreg:$0x1];
	(pc) =	sbr.rel .LBB2_1-.Ltmp0, $4  }
0x15: {  	_ =	strace $0x8000004A;
	p0 =	sne.s32 s7, s9;
	s9 =	simm.s32 $0x1  }
0x16: {  	[sflag:s6] =	ssyncpa.u1 $0x0;
	s7 =	simm.s32 $0x2;
	s9 =	simm.s32 @!p0 $0x0  }
0x17: {  	[sflag:s7] =	ssyncpa.u1 $0x0;
	p0 =	por $0x0, $0x0;
	s8 =	sadd.s32 s8, s9  }
0x18: {  	vm0 =	vmmov $0xff;
	vm1 =	vcmask $0x3F20;
	s9 =	sadd.s32 $0xB1600, s4;
	[sflag:s10] =	ssyncpa.u1 $0x0;
	s10 =	sadd.s32 $0x1, s8  }
.LBB2_6:
0x19: {  	[hbm:s17] =	stream.linear.scatter [tilespmem:s14], [sflag:$0x3], $0x400, $0x38;
	[tilespmem:$0x19320] =	vst v63  }
.LBB2_7:
0x1a: {  	s13 =	sadd.s32 $0x190, s11  }
0x1b: {  	s15 =	smov.u32 s1;
	p2 =	slt.s32 s13, s3  }
0x1c: {  	s15 =	smov.u32 @p2 s13;
	p2 =	sne.s32 s12, s10  }
.Ltmp1:
0x1d: {  	p1 =	slt.u32 s12, $0x2;
	(pc) =	sbr.rel @!p2 .LBB2_8-.Ltmp1, $4  }
0x1e: {  	s14 =	simm.s32 @!p1 $0x3  }
0x1f: {  	s16 =	sadd.s32 $0x1, s12;
	_ =	swait.ge @!p1 [sflag:s14], $0xC800  }
0x20: {  	p0 =	por !p0, !p0;
	s13 =	smov.u32 s11;
	[sflag:s14] =	ssyncset.done @!p1 $0x0  }
0x21: {  	s12 =	smov.u32 s16;
	s11 =	smov.u32 s15;
	[sflag:s14] =	ssyncadd.s32 @!p1 $0xFFFF3800  }
.LBB2_1:
0x22: {  	p1 =	sge.u32 s12, s8  }
0x23: {  	s14 =	sxor.u32 @!p1 $0xFFFFFFFF, s12  }
0x24: {  	s14 =	sand.u32 @!p1 $0x1, s14  }
0x25: {  	s14 =	smul.u32 @!p1 $0x640, s14  }
0x26: {  	s31 =	sadd.s32 $0xFFFFFFFF, s12;
	s15 =	sshrl.u32 @!p1 s11, $0x3  }
0x27: {  	s16 =	sand.u32 @!p1 $0x7, s11;
	s15 =	sadd.s32 @!p1 s4, s15;
	s14 =	sshrl.u32 @!p1 s14, $0x2  }
0x28: {  	[tilespmem:s14], [sflag:$0x2] =	stream.linear.gather @!p1 [hbm4b:s15+s16], $0x190, $0x38;
	[tilespmem:$0x19320] =	vst v63  }
0x29: {  	p1 =	sge.u32 s31, s8  }
.Ltmp2:
0x2a: {  	_ = 	snop;
	(pc) =	sbr.rel @p1 .LBB2_7-.Ltmp2, $1  }
0x2b: {  	_ =	sdelay $0x3  }
0x2c: {  	s14 =	simm.s32 $0x1  }
0x2d: {  	s14 =	simm.s32 @!p0 $0x0  }
0x2e: {  	s15 =	smul.u32 $0x640, s14  }
0x2f: {  	_ =	swait.ge [sflag:s7], $0x190  }
0x30: {  	[sflag:s7] =	ssyncset.done $0x0;
	s16 =	sshrl.u32 s15, $0x2  }
0x31: {  	[sflag:s7] =	ssyncadd.s32 $0xFFFFFE70;
	s15 =	sadd.s32 $0x0, s16  }
0x32: {  	v0 =	vld.msk [tilespmem:s15+$0x0 ss:$0x1], $0xffff;
	_ =	sdelay $0x4  }
0x33: {  	vm2 =	veq.s32 v0, $0x80000000;
	v1 =	vand.u32 $0x1, v0;
	v0 =	vshll.u32 v0, $0x7  }
0x34: {  	v1 =	vsel vm2, $0xFFFFFFFF, v1;
	v0 =	vand.u32 $0x7FFF00, v0  }
0x35: {  	v0 =	vsel vm2, $0xFFFFFF00, v0;
	v2 =	vand.u32 $0xFFFFFF00, v1;
	v1 =	vshll.u32 v1, $0x7  }
0x36: {  	v0 =	vadd.s32 v2, v0;
	v1 =	vand.u32 $0x80, v1  }
0x37: {  	v0 =	vor.u32 v1, v0  }
0x38: {  	v0 =	vshrl.u32 v0, $0x3  }
0x39: {  	s14 =	smul.u32 $0x32000, s14;
	_ =	sdelay $0x1  }
0x3a: {  	s14 =	sshrl.u32 s14, $0x2  }
0x3b: {  	s14 =	sor.u32 $0x320, s14  }
0x3c: {  	[tilespmem:s14], [sflag:$0x1] =	stream.indirect_vreg.gather [hbm:s5], $0x80, v0, vm0, $0x38;
	[tilespmem:$0x19320] =	vst v63  }
0x3d: {  	s17 =	sadd.s32 $0x10, s16;
	s15 =	sadd.s32 $0x400, s14  }
0x3e: {  	[tilespmem:s15], [sflag:$0x1] =	stream.indirect_vreg.gather [hbm:s5], $0x80, v0, vm1, $0x38;
	[tilespmem:$0x19320] =	vst v63  }
0x3f: {  	s18 =	simm.s32 $0x80;
	v0 =	vld.msk [tilespmem:s17+$0x0 ss:$0x1], $0xffff;
	s17 =	smov.u32 s14  }
.LBB2_3:
0x40: {  	p1 =	sne.s32 s18, $0x600;
	_ =	sdelay $0x4  }
0x41: {  	vm2 =	veq.s32 v0, $0x80000000;
	v1 =	vand.u32 $0x1, v0;
	v0 =	vshll.u32 v0, $0x7  }
0x42: {  	v1 =	vsel vm2, $0xFFFFFFFF, v1;
	v0 =	vand.u32 $0x7FFF00, v0  }
0x43: {  	v0 =	vsel vm2, $0xFFFFFF00, v0;
	v2 =	vand.u32 $0xFFFFFF00, v1;
	v1 =	vshll.u32 v1, $0x7  }
0x44: {  	v0 =	vadd.s32 v2, v0;
	v1 =	vand.u32 $0x80, v1  }
0x45: {  	v0 =	vor.u32 v1, v0  }
0x46: {  	v0 =	vshrl.u32 v0, $0x3;
	_ =	sdelay $0x3  }
.Ltmp3:
0x47: {  	s19 =	sshra.s32 s18, $0x2;
	s17 =	sadd.s32 $0x800, s17;
	(pc) =	sbr.rel @p1 .LBB2_3-.Ltmp3, $4  }
0x48: {  	[tilespmem:s17], [sflag:$0x1] =	stream.indirect_vreg.gather [hbm:s5], $0x80, v0, vm0, $0x38;
	[tilespmem:$0x19320] =	vst v63  }
0x49: {  	s19 =	sadd.s32 s19, s16;
	s20 =	sadd.s32 $0x400, s17  }
0x4a: {  	[tilespmem:s20], [sflag:$0x1] =	stream.indirect_vreg.gather [hbm:s5], $0x80, v0, vm1, $0x38;
	[tilespmem:$0x19320] =	vst v63  }
0x4b: {  	s18 =	sadd.s32 $0x40, s18;
	v0 =	vld.msk [tilespmem:s19+$0x0 ss:$0x1], $0xffff  }
0x4c: {  	_ =	sdelay $0x3  }
0x4d: {  	vm2 =	veq.s32 v0, $0x80000000;
	v1 =	vand.u32 $0x1, v0;
	v63 =	vshll.u32 v0, $0x7  }
0x4e: {  	v1 =	vsel vm2, $0xFFFFFFFF, v1;
	v0 =	vand.u32 $0x7FFF00, v63  }
0x4f: {  	v0 =	vsel vm2, $0xFFFFFF00, v0;
	v2 =	vand.u32 $0xFFFFFF00, v1;
	v1 =	vshll.u32 v1, $0x7  }
0x50: {  	v0 =	vadd.s32 v2, v0;
	v1 =	vand.u32 $0x80, v1  }
0x51: {  	v0 =	vor.u32 v1, v0  }
0x52: {  	v0 =	vshrl.u32 v0, $0x3;
	_ =	sdelay $0x3  }
0x53: {  	s16 =	sadd.s32 $0x800, s17  }
0x54: {  	[tilespmem:s16], [sflag:$0x1] =	stream.indirect_vreg.gather [hbm:s5], $0x80, v0, vm0, $0x38;
	[tilespmem:$0x19320] =	vst v63  }
0x55: {  	s16 =	sadd.s32 $0x400, s16  }
0x56: {  	[tilespmem:s16], [sflag:$0x1] =	stream.indirect_vreg.gather [hbm:s5], $0x80, v0, vm1, $0x38;
	[tilespmem:$0x19320] =	vst v63  }
0x57: {  	s13 =	sshll.u32 s13, $0x4;
	_ =	swait.ge [sflag:s6], $0xC800  }
0x58: {  	s13 =	sadd.s32 s13, s9;
	[sflag:s6] =	ssyncset.done $0x0  }
0x59: {  	s17 =	sadd.s32 $0x0, s13;
	s16 =	simm.s32 $0x80;
	[sflag:s6] =	ssyncadd.s32 $0xFFFF3800  }
.LBB2_5:
0x5a: {  	[hbm:s17] =	stream.linear.scatter [tilespmem:s14], [sflag:$0x3], $0x400, $0x38;
	[tilespmem:$0x19320] =	vst v63  }
0x5b: {  	s17 =	smov.u32 s16;
	s14 =	smov.u32 s15;
	p1 =	sne.s32 s16, $0x1880  }
.Ltmp4:
0x5c: {  	s16 =	sadd.s32 $0x80, s16;
	(pc) =	sbr.rel @p1 .LBB2_5-.Ltmp4, $2  }
0x5d: {  	_ =	sdelay $0x2  }
0x5e: {  	s15 =	sadd.s32 $0x400, s15;
	s17 =	sadd.s32 s17, s13  }
.Ltmp5:
0x5f: {  	_ = 	snop;
	(pc) =	sbr.rel .LBB2_6-.Ltmp5, $1  }
0x60: {  	_ =	sdelay $0x3  }
.LBB2_8:
0x61: {  	_ =	sfence.sel $0x180000  }
0x62: {  	s1 =	simm.s32 $0x2;
	[bflag:$0x0] =	sbarrier.arrive $0xFFFF  }
0x63: {  	s30 =	simm.s32 $0x3;
	[sflag:s1] =	ssyncpa.u1 $0x1  }
0x64: {  	s31 =	simm.s32 $0x1;
	[sflag:s30] =	ssyncpa.u1 $0x1  }
0x65: {  	[sflag:s31] =	ssyncpa.u1 $0x1  }
0x66: {  	p0 =	sne.s32 s0, $0x0;
	_ =	strace $0x9000004A  }
0x67: {  	s0 =	sadd.s32 @!p0 $0x100000, s2;
	[bflag:$0x2] =	sbarrier.arrive $0xFFFF  }
0x68: {  	[sflag:s0] =	ssyncadd.tile.s32 @!p0 $0x1;
	_ =	shalt  }
.Lfunc_end2:
_tile_overlayer_lowered:
.L_overlay_start_2:
0x69: {  	(tag) =	ssettag $0x2  }
0x6a: {  	s0 =	rddreg [dreg:$0x0];
	s2 =	stileid.u32  }
0x6b: {  	s1 =	rddreg [dreg:$0x1];
	p0 =	sne.s32 s2, $0x0  }
0x6c: {  	s3 =	rddreg [dreg:$0x2];
	[bflag:$0x3] =	sbarrier.arrive $0xFFFF;
	s2 =	simm.s32 @!p0 $0x1C01  }
0x6d: {  	[timem:s3], [sflag:s2] =	dma.local @!p0 [hbm:s0], s1  }
0x6e: {  	s0 =	simm.s32 @!p0 $0x1  }
0x6f: {  	_ =	swait.ge @!p0 [sflag:s0], s1  }
0x70: {  	s1 =	ssub.s32 @!p0 $0x0, s1;
	[sflag:s0] =	ssyncset.done @!p0 $0x0  }
0x71: {  	[sflag:s0] =	ssyncadd.s32 @!p0 s1  }
0x72: {  	[bflag:$0x3] =	sbarrier.arrive $0xFFFF  }
0x73: {  	_ =	shalt  }

</sc_bundles>
